<compile_context>
chip_gen: v7x
topology: tpu7x:2x2x1
jax: 0.10.2.dev20260603
libtpu: 0.0.44.dev20260713+nightly
codegen_flags: <defaults>
</compile_context>

<pallas_src>
import functools

import jax
import jax.numpy as jnp
from jax import lax
from jax.experimental import pallas as pl
from jax.experimental.pallas import tpu as pltpu
from jax.experimental.pallas import tpu_sc as plsc

DEPTH = 2
DIM_EMB = 128
N_MODULES = 8
EXAMPLES_PER_STEP = 8


def _pool_kernel(x_ref, wctl_ref, bctl_ref, ctl_ref, rows_ref):
    eps = x_ref.shape[0]
    hw = x_ref.shape[2]
    xms = [jnp.sum(x_ref[i], axis=1, keepdims=True) * (1.0 / hw)
           for i in range(eps)]
    xm = jnp.concatenate(xms, axis=1)
    ctl_all = jnp.dot(wctl_ref[...], xm,
                      preferred_element_type=jnp.float32) + bctl_ref[...]
    for t in range(DEPTH):
        ctl_t = ctl_all[t * DIM_EMB:(t + 1) * DIM_EMB, :]
        rows_ref[:, t, :] = ctl_t.T
        for i in range(eps):
            ctl_ref[i, :, t:t + 1] = ctl_t[:, i:i + 1]


_GATHER_1D = lax.GatherDimensionNumbers(
    offset_dims=(), collapsed_slice_dims=(0,), start_index_map=(0,))


def _perm16(v, idx):
    return lax.gather(v, idx[:, None], _GATHER_1D, slice_sizes=(1,),
                      mode=lax.GatherScatterMode.PROMISE_IN_BOUNDS)


def _hsum16(v):
    iota = lax.iota(jnp.int32, 16)
    for sh in (1, 2, 4, 8):
        v = v + _perm16(v, (iota + sh) & 15)
    return v


def _sc_route(rows_hbm, embr_hbm, idx_hbm, row_v, embr_v, idx_v):
    c = lax.axis_index("c")
    s = lax.axis_index("s")
    w = s * 2 + c
    pltpu.sync_copy(rows_hbm.at[w], row_v)
    pltpu.sync_copy(embr_hbm, embr_v)
    best = jnp.full((16,), 3.4e38, jnp.float32)
    bidx = jnp.zeros((16,), jnp.int32)
    for k in range(N_MODULES):
        acc = jnp.zeros((16,), jnp.float32)
        for i in range(DIM_EMB // 16):
            d = row_v[pl.ds(16 * i, 16)] - embr_v[k, pl.ds(16 * i, 16)]
            acc = acc + d * d
        dist = _hsum16(acc)
        pred = dist < best
        best = jnp.where(pred, dist, best)
        bidx = jnp.where(pred, jnp.full((16,), k, jnp.int32), bidx)
    idx_v[...] = bidx
    pltpu.sync_copy(idx_v, idx_hbm.at[w])


def _apply_kernel(idx_ref, x_ref, embc_ref, wcomp_ref, bcomp_ref,
                  y_ref, ctln_ref):
    eps = x_ref.shape[0]
    step = pl.program_id(0)
    composed = []
    for i in range(eps):
        idx0 = idx_ref[(step * eps + i) * DEPTH + 0]
        idx1 = idx_ref[(step * eps + i) * DEPTH + 1]
        ctln_ref[i, :, 0:1] = embc_ref[idx0]
        ctln_ref[i, :, 1:2] = embc_ref[idx1]
        w1 = wcomp_ref[idx0]
        w2 = wcomp_ref[idx1]
        b1 = bcomp_ref[idx0]
        b2 = bcomp_ref[idx1]
        w_eff = jnp.dot(w2, w1, preferred_element_type=jnp.float32)
        b_eff = jnp.dot(w2, b1, preferred_element_type=jnp.float32) + b2
        composed.append((w_eff.astype(jnp.bfloat16), b_eff))
    for i in range(eps):
        w_eff, b_eff = composed[i]
        y = jnp.dot(w_eff, x_ref[i].astype(jnp.bfloat16),
                    preferred_element_type=jnp.float32)
        y_ref[i] = (y + b_eff).astype(jnp.bfloat16)


def kernel(x, W_ctl, b_ctl, emb, W_comp, b_comp):
    Bn, C, H, W = x.shape
    HW = H * W
    x2 = x.reshape(Bn, C, HW)
    W_ctl_dm = (W_ctl.reshape(DIM_EMB, DEPTH, C)
                .transpose(1, 0, 2).reshape(DEPTH * DIM_EMB, C))
    b_ctl_dm = b_ctl.reshape(DIM_EMB, DEPTH).T.reshape(DEPTH * DIM_EMB, 1)
    emb_rows = emb.T
    emb_cols = emb.T.reshape(N_MODULES, DIM_EMB, 1)
    b_comp_c = b_comp.reshape(N_MODULES, C, 1)
    eps = EXAMPLES_PER_STEP

    ctl, rows = pl.pallas_call(
        _pool_kernel,
        grid=(Bn // eps,),
        in_specs=[
            pl.BlockSpec((eps, C, HW), lambda e: (e, 0, 0)),
            pl.BlockSpec((DEPTH * DIM_EMB, C), lambda e: (0, 0)),
            pl.BlockSpec((DEPTH * DIM_EMB, 1), lambda e: (0, 0)),
        ],
        out_specs=[
            pl.BlockSpec((eps, DIM_EMB, DEPTH), lambda e: (e, 0, 0)),
            pl.BlockSpec((eps, DEPTH, DIM_EMB), lambda e: (e, 0, 0)),
        ],
        out_shape=[
            jax.ShapeDtypeStruct((Bn, DIM_EMB, DEPTH), jnp.float32),
            jax.ShapeDtypeStruct((Bn, DEPTH, DIM_EMB), jnp.float32),
        ],
        compiler_params=pltpu.CompilerParams(
            dimension_semantics=("arbitrary",),
        ),
    )(x2, W_ctl_dm, b_ctl_dm)

    mesh = plsc.VectorSubcoreMesh(core_axis_name="c", subcore_axis_name="s")
    idx16 = pl.kernel(
        _sc_route,
        mesh=mesh,
        out_type=jax.ShapeDtypeStruct((Bn * DEPTH, 16), jnp.int32),
        scratch_types=[
            pltpu.VMEM((DIM_EMB,), jnp.float32),
            pltpu.VMEM((N_MODULES, DIM_EMB), jnp.float32),
            pltpu.VMEM((16,), jnp.int32),
        ],
    )(rows.reshape(Bn * DEPTH, DIM_EMB), emb_rows)
    idx_flat = idx16[:, 0]

    y, ctln = pl.pallas_call(
        _apply_kernel,
        grid=(Bn // eps,),
        in_specs=[
            pl.BlockSpec(memory_space=pltpu.SMEM),
            pl.BlockSpec((eps, C, HW), lambda e: (e, 0, 0)),
            pl.BlockSpec((N_MODULES, DIM_EMB, 1), lambda e: (0, 0, 0)),
            pl.BlockSpec((N_MODULES, C, C), lambda e: (0, 0, 0)),
            pl.BlockSpec((N_MODULES, C, 1), lambda e: (0, 0, 0)),
        ],
        out_specs=[
            pl.BlockSpec((eps, C, HW), lambda e: (e, 0, 0)),
            pl.BlockSpec((eps, DIM_EMB, DEPTH), lambda e: (e, 0, 0)),
        ],
        out_shape=[
            jax.ShapeDtypeStruct((Bn, C, HW), jnp.bfloat16),
            jax.ShapeDtypeStruct((Bn, DIM_EMB, DEPTH), jnp.float32),
        ],
        compiler_params=pltpu.CompilerParams(
            dimension_semantics=("arbitrary",),
        ),
    )(idx_flat, x2, emb_cols, W_comp, b_comp_c)
    return (y.astype(jnp.float32).reshape(Bn, C, H, W), ctl, ctln)

# --- scband reference (transcript-rebuilt; emitter-appended) ---
"""Pipeline reference for scband-modular-net-81054622810212 (READ-ONLY COPY).

The authoritative reference and input builder live on the scoring server;
editing this copy changes nothing except your own understanding.
"""

import jax, jax.numpy as jnp
import numpy as np

DEPTH = 2
DIM_EMB = 128
N_MODULES = 8
B = 16
C = 128
H = 56
W = 56


def setup_inputs(seed: int = 0) -> dict:
    key = jax.random.key(seed)
    ks = jax.random.split(key, 6)
    x = jax.random.normal(ks[0], (B, C, H, W), dtype=jnp.float32)
    W_ctl = jax.random.normal(ks[1], (DEPTH * DIM_EMB, C), dtype=jnp.float32) * (1.0 / np.sqrt(C))
    b_ctl = jnp.zeros((DEPTH * DIM_EMB,), dtype=jnp.float32)
    emb = jax.random.normal(ks[2], (DIM_EMB, N_MODULES), dtype=jnp.float32)
    W_comp = jax.random.normal(ks[3], (N_MODULES, C, C), dtype=jnp.float32) * (1.0 / np.sqrt(C))
    b_comp = jnp.zeros((N_MODULES, C), dtype=jnp.float32)
    return {"x": x, "W_ctl": W_ctl, "b_ctl": b_ctl, "emb": emb, "W_comp": W_comp, "b_comp": b_comp}


def _nearest_embed(xv, emb):
    # xv: [B, D, T], emb: [D, K]  (NearestEmbed weight layout: [emb_dim, n_emb])
    dist = jnp.sum((xv[:, :, :, None] - emb[None, :, None, :]) ** 2, axis=1)  # [B, T, K]
    idx = jnp.argmin(dist, axis=-1)  # [B, T]
    quant = jnp.transpose(emb[:, idx], (1, 0, 2))  # [B, D, T]
    return quant, idx


def reference(x, W_ctl, b_ctl, emb, W_comp, b_comp):
    Bn = x.shape[0]
    # controller: 1x1 conv (C -> depth*dim_emb) followed by AdaptiveAvgPool2d(1)
    ctl_map = jnp.einsum('bchw,oc->bohw', x, W_ctl) + b_ctl[None, :, None, None]
    ctl = jnp.mean(ctl_map, axis=(2, 3))  # [B, depth*dim_emb]
    ctl = ctl.reshape(Bn, DIM_EMB, DEPTH)
    # first NearestEmbed call (weight_sg=True): only routing indices used
    _, out_idx = _nearest_embed(ctl, jax.lax.stop_gradient(emb))
    # second call on detached controller output -> quantized vectors for VQ loss
    ctl_nearest, _ = _nearest_embed(jax.lax.stop_gradient(ctl), emb)
    # route each example through its selected expert modules (1x1 convs C->C)
    ys = []
    for e in range(Bn):
        y = x[e]
        for d in range(DEPTH):
            m = out_idx[e, d]
            y = jnp.einsum('chw,oc->ohw', y, W_comp[m]) + b_comp[m][:, None, None]
        ys.append(y)
    y = jnp.stack(ys, axis=0)
    return (y, ctl, ctl_nearest)

if __name__ == "__main__":
    import jax
    _d = setup_inputs()
    print(jax.jit(kernel)(*tuple(_d.values())))

</pallas_src>

<mosaic_0001>
#map = affine_map<(d0, d1) -> (0, 0)>
module attributes {stable_mosaic.version = 14 : i64} {
  func.func @_sc_route(%arg0: i32, %arg1: i32, %arg2: memref<32x128xf32, #tpu.memory_space<hbm>>, %arg3: memref<8x128xf32, #tpu.memory_space<hbm>>, %arg4: memref<32x16xi32, #tpu.memory_space<hbm>>, %arg5: memref<128xf32, #tpu.memory_space<vmem>>, %arg6: memref<8x128xf32, #tpu.memory_space<vmem>>, %arg7: memref<16xi32, #tpu.memory_space<vmem>>) attributes {dimension_semantics = [#tpu.dimension_semantics<core_parallel>, #tpu.dimension_semantics<subcore_parallel>], iteration_bounds = array<i64: 2, 16>, scalar_prefetch = 0 : i64, scratch_operands = 3 : i64, tpu.core_type = #tpu.core_type<sc_vector_subcore>, window_params = [{transform_indices = #map}, {transform_indices = #map}, {transform_indices = #map}]} {
    %mul3A = arith.constant 2 : i32
    %mul3A_0 = arith.muli %arg1, %mul3A : i32
    %add3A = arith.addi %mul3A_0, %arg0 : i32
    "tpu.region"() ({
      %run_scoped3A = tpu.sem_alloc : memref<!tpu.dma_semaphore, #tpu.memory_space<semaphore_mem>>
      %dma_start3A = arith.constant 0 : i32
      %dma_start3A_1088 = tpu.memref_slice %arg2[%add3A, %dma_start3A] : memref<32x128xf32, #tpu.memory_space<hbm>> -> memref<1x128xf32, #tpu.memory_space<hbm>>
      %dma_start3A_1089 = tpu.memref_squeeze %dma_start3A_1088 : memref<1x128xf32, #tpu.memory_space<hbm>> -> memref<128xf32, #tpu.memory_space<hbm>>
      %dma_start3A_1090 = arith.constant 0 : i32
      %dma_start3A_1091 = tpu.memref_slice %arg2[%add3A, %dma_start3A_1090] : memref<32x128xf32, #tpu.memory_space<hbm>> -> memref<1x128xf32, #tpu.memory_space<hbm>>
      %dma_start3A_1092 = tpu.memref_squeeze %dma_start3A_1091 : memref<1x128xf32, #tpu.memory_space<hbm>> -> memref<128xf32, #tpu.memory_space<hbm>>
      tpu.enqueue_dma source(%dma_start3A_1092 : memref<128xf32, #tpu.memory_space<hbm>>) target(%arg5 : memref<128xf32, #tpu.memory_space<vmem>>) target_semaphore(%run_scoped3A : memref<!tpu.dma_semaphore, #tpu.memory_space<semaphore_mem>>)
      %dma_wait3A = arith.constant 0 : i32
      %dma_wait3A_1093 = tpu.memref_slice %arg2[%add3A, %dma_wait3A] : memref<32x128xf32, #tpu.memory_space<hbm>> -> memref<1x128xf32, #tpu.memory_space<hbm>>
      %dma_wait3A_1094 = tpu.memref_squeeze %dma_wait3A_1093 : memref<1x128xf32, #tpu.memory_space<hbm>> -> memref<128xf32, #tpu.memory_space<hbm>>
      %dma_wait3A_1095 = arith.constant 0 : i32
      %dma_wait3A_1096 = tpu.memref_slice %arg2[%add3A, %dma_wait3A_1095] : memref<32x128xf32, #tpu.memory_space<hbm>> -> memref<1x128xf32, #tpu.memory_space<hbm>>
      %dma_wait3A_1097 = tpu.memref_squeeze %dma_wait3A_1096 : memref<1x128xf32, #tpu.memory_space<hbm>> -> memref<128xf32, #tpu.memory_space<hbm>>
      tpu.wait_dma2 semaphore(%run_scoped3A : memref<!tpu.dma_semaphore, #tpu.memory_space<semaphore_mem>>) src(%dma_wait3A_1097 : memref<128xf32, #tpu.memory_space<hbm>>) dst(%arg5 : memref<128xf32, #tpu.memory_space<vmem>>)
      tpu.yield
    }) : () -> ()
    "tpu.region"() ({
      %run_scoped3A = tpu.sem_alloc : memref<!tpu.dma_semaphore, #tpu.memory_space<semaphore_mem>>
      tpu.enqueue_dma source(%arg3 : memref<8x128xf32, #tpu.memory_space<hbm>>) target(%arg6 : memref<8x128xf32, #tpu.memory_space<vmem>>) target_semaphore(%run_scoped3A : memref<!tpu.dma_semaphore, #tpu.memory_space<semaphore_mem>>)
      tpu.wait_dma2 semaphore(%run_scoped3A : memref<!tpu.dma_semaphore, #tpu.memory_space<semaphore_mem>>) src(%arg3 : memref<8x128xf32, #tpu.memory_space<hbm>>) dst(%arg6 : memref<8x128xf32, #tpu.memory_space<vmem>>)
      tpu.yield
    }) : () -> ()
    %broadcast_in_dim3A = arith.constant 3.400000e+38 : f32
    %broadcast_in_dim3A_1 = vector.broadcast %broadcast_in_dim3A : f32 to vector<16xf32>
    %broadcast_in_dim3A_2 = arith.constant 0 : i32
    %broadcast_in_dim3A_3 = vector.broadcast %broadcast_in_dim3A_2 : i32 to vector<16xi32>
    %broadcast_in_dim3A_4 = arith.constant 0.000000e+00 : f32
    %broadcast_in_dim3A_5 = vector.broadcast %broadcast_in_dim3A_4 : f32 to vector<16xf32>
    %get3A = arith.constant 0 : index
    %get3A_6 = tpu.vector_load %arg5[%get3A] {strides = array<i32>} : memref<128xf32, #tpu.memory_space<vmem>>, vector<16xf32>,
    %get3A_7 = vector.shape_cast %get3A_6 : vector<16xf32> to vector<16xf32>
    %get3A_8 = arith.constant 0 : i32
    %get3A_9 = arith.index_cast %get3A_8 : i32 to index
    %get3A_10 = arith.constant 0 : index
    %get3A_11 = tpu.vector_load %arg6[%get3A_9, %get3A_10] {strides = array<i32>} : memref<8x128xf32, #tpu.memory_space<vmem>>, vector<1x16xf32>,
    %get3A_12 = vector.shape_cast %get3A_11 : vector<1x16xf32> to vector<16xf32>
    %sub3A = arith.subf %get3A_7, %get3A_12 : vector<16xf32>
    %mul3A_13 = arith.mulf %sub3A, %sub3A : vector<16xf32>
    %add3A_14 = arith.addf %broadcast_in_dim3A_5, %mul3A_13 : vector<16xf32>
    %get3A_15 = arith.constant 16 : index
    %get3A_16 = tpu.vector_load %arg5[%get3A_15] {strides = array<i32>} : memref<128xf32, #tpu.memory_space<vmem>>, vector<16xf32>,
    %get3A_17 = vector.shape_cast %get3A_16 : vector<16xf32> to vector<16xf32>
    %get3A_18 = arith.constant 0 : i32
    %get3A_19 = arith.index_cast %get3A_18 : i32 to index
    %get3A_20 = arith.constant 16 : index
    %get3A_21 = tpu.vector_load %arg6[%get3A_19, %get3A_20] {strides = array<i32>} : memref<8x128xf32, #tpu.memory_space<vmem>>, vector<1x16xf32>,
    %get3A_22 = vector.shape_cast %get3A_21 : vector<1x16xf32> to vector<16xf32>
    %sub3A_23 = arith.subf %get3A_17, %get3A_22 : vector<16xf32>
    %mul3A_24 = arith.mulf %sub3A_23, %sub3A_23 : vector<16xf32>
    %add3A_25 = arith.addf %add3A_14, %mul3A_24 : vector<16xf32>
    %get3A_26 = arith.constant 32 : index
    %get3A_27 = tpu.vector_load %arg5[%get3A_26] {strides = array<i32>} : memref<128xf32, #tpu.memory_space<vmem>>, vector<16xf32>,
    %get3A_28 = vector.shape_cast %get3A_27 : vector<16xf32> to vector<16xf32>
    %get3A_29 = arith.constant 0 : i32
    %get3A_30 = arith.index_cast %get3A_29 : i32 to index
    %get3A_31 = arith.constant 32 : index
    %get3A_32 = tpu.vector_load %arg6[%get3A_30, %get3A_31] {strides = array<i32>} : memref<8x128xf32, #tpu.memory_space<vmem>>, vector<1x16xf32>,
    %get3A_33 = vector.shape_cast %get3A_32 : vector<1x16xf32> to vector<16xf32>
    %sub3A_34 = arith.subf %get3A_28, %get3A_33 : vector<16xf32>
    %mul3A_35 = arith.mulf %sub3A_34, %sub3A_34 : vector<16xf32>
    %add3A_36 = arith.addf %add3A_25, %mul3A_35 : vector<16xf32>
    %get3A_37 = arith.constant 48 : index
    %get3A_38 = tpu.vector_load %arg5[%get3A_37] {strides = array<i32>} : memref<128xf32, #tpu.memory_space<vmem>>, vector<16xf32>,
    %get3A_39 = vector.shape_cast %get3A_38 : vector<16xf32> to vector<16xf32>
    %get3A_40 = arith.constant 0 : i32
    %get3A_41 = arith.index_cast %get3A_40 : i32 to index
    %get3A_42 = arith.constant 48 : index
    %get3A_43 = tpu.vector_load %arg6[%get3A_41, %get3A_42] {strides = array<i32>} : memref<8x128xf32, #tpu.memory_space<vmem>>, vector<1x16xf32>,
    %get3A_44 = vector.shape_cast %get3A_43 : vector<1x16xf32> to vector<16xf32>
    %sub3A_45 = arith.subf %get3A_39, %get3A_44 : vector<16xf32>
    %mul3A_46 = arith.mulf %sub3A_45, %sub3A_45 : vector<16xf32>
    %add3A_47 = arith.addf %add3A_36, %mul3A_46 : vector<16xf32>
    %get3A_48 = arith.constant 64 : index
    %get3A_49 = tpu.vector_load %arg5[%get3A_48] {strides = array<i32>} : memref<128xf32, #tpu.memory_space<vmem>>, vector<16xf32>,
    %get3A_50 = vector.shape_cast %get3A_49 : vector<16xf32> to vector<16xf32>
    %get3A_51 = arith.constant 0 : i32
    %get3A_52 = arith.index_cast %get3A_51 : i32 to index
    %get3A_53 = arith.constant 64 : index
    %get3A_54 = tpu.vector_load %arg6[%get3A_52, %get3A_53] {strides = array<i32>} : memref<8x128xf32, #tpu.memory_space<vmem>>, vector<1x16xf32>,
    %get3A_55 = vector.shape_cast %get3A_54 : vector<1x16xf32> to vector<16xf32>
    %sub3A_56 = arith.subf %get3A_50, %get3A_55 : vector<16xf32>
    %mul3A_57 = arith.mulf %sub3A_56, %sub3A_56 : vector<16xf32>
    %add3A_58 = arith.addf %add3A_47, %mul3A_57 : vector<16xf32>
    %get3A_59 = arith.constant 80 : index
    %get3A_60 = tpu.vector_load %arg5[%get3A_59] {strides = array<i32>} : memref<128xf32, #tpu.memory_space<vmem>>, vector<16xf32>,
    %get3A_61 = vector.shape_cast %get3A_60 : vector<16xf32> to vector<16xf32>
    %get3A_62 = arith.constant 0 : i32
    %get3A_63 = arith.index_cast %get3A_62 : i32 to index
    %get3A_64 = arith.constant 80 : index
    %get3A_65 = tpu.vector_load %arg6[%get3A_63, %get3A_64] {strides = array<i32>} : memref<8x128xf32, #tpu.memory_space<vmem>>, vector<1x16xf32>,
    %get3A_66 = vector.shape_cast %get3A_65 : vector<1x16xf32> to vector<16xf32>
    %sub3A_67 = arith.subf %get3A_61, %get3A_66 : vector<16xf32>
    %mul3A_68 = arith.mulf %sub3A_67, %sub3A_67 : vector<16xf32>
    %add3A_69 = arith.addf %add3A_58, %mul3A_68 : vector<16xf32>
    %get3A_70 = arith.constant 96 : index
    %get3A_71 = tpu.vector_load %arg5[%get3A_70] {strides = array<i32>} : memref<128xf32, #tpu.memory_space<vmem>>, vector<16xf32>,
    %get3A_72 = vector.shape_cast %get3A_71 : vector<16xf32> to vector<16xf32>
    %get3A_73 = arith.constant 0 : i32
    %get3A_74 = arith.index_cast %get3A_73 : i32 to index
    %get3A_75 = arith.constant 96 : index
    %get3A_76 = tpu.vector_load %arg6[%get3A_74, %get3A_75] {strides = array<i32>} : memref<8x128xf32, #tpu.memory_space<vmem>>, vector<1x16xf32>,
    %get3A_77 = vector.shape_cast %get3A_76 : vector<1x16xf32> to vector<16xf32>
    %sub3A_78 = arith.subf %get3A_72, %get3A_77 : vector<16xf32>
    %mul3A_79 = arith.mulf %sub3A_78, %sub3A_78 : vector<16xf32>
    %add3A_80 = arith.addf %add3A_69, %mul3A_79 : vector<16xf32>
    %get3A_81 = arith.constant 112 : index
    %get3A_82 = tpu.vector_load %arg5[%get3A_81] {strides = array<i32>} : memref<128xf32, #tpu.memory_space<vmem>>, vector<16xf32>,
    %get3A_83 = vector.shape_cast %get3A_82 : vector<16xf32> to vector<16xf32>
    %get3A_84 = arith.constant 0 : i32
    %get3A_85 = arith.index_cast %get3A_84 : i32 to index
    %get3A_86 = arith.constant 112 : index
    %get3A_87 = tpu.vector_load %arg6[%get3A_85, %get3A_86] {strides = array<i32>} : memref<8x128xf32, #tpu.memory_space<vmem>>, vector<1x16xf32>,
    %get3A_88 = vector.shape_cast %get3A_87 : vector<1x16xf32> to vector<16xf32>
    %sub3A_89 = arith.subf %get3A_83, %get3A_88 : vector<16xf32>
    %mul3A_90 = arith.mulf %sub3A_89, %sub3A_89 : vector<16xf32>
    %add3A_91 = arith.addf %add3A_80, %mul3A_90 : vector<16xf32>
    %iota3A = tpu.iota {dimensions = array<i32: 0>} : vector<16xi32>
    %add3A_92 = arith.constant 1 : i32
    %add3A_93 = vector.broadcast %add3A_92 : i32 to vector<16xi32>
    %add3A_94 = arith.addi %iota3A, %add3A_93 : vector<16xi32>
    %and3A = arith.constant 15 : i32
    %and3A_95 = vector.broadcast %and3A : i32 to vector<16xi32>
    %and3A_96 = arith.andi %add3A_94, %and3A_95 : vector<16xi32>
    %broadcast_in_dim3A_97 = vector.shape_cast %and3A_96 : vector<16xi32> to vector<16x1xi32>
    %gather3A = vector.shape_cast %broadcast_in_dim3A_97 : vector<16x1xi32> to vector<16xi32>
    %gather3A_98 = tpu.dynamic_gather %add3A_91[%gather3A] in [0] : vector<16xf32>, vector<16xi32> -> vector<16xf32>
    %add3A_99 = arith.addf %add3A_91, %gather3A_98 : vector<16xf32>
    %add3A_100 = arith.constant 2 : i32
    %add3A_101 = vector.broadcast %add3A_100 : i32 to vector<16xi32>
    %add3A_102 = arith.addi %iota3A, %add3A_101 : vector<16xi32>
    %and3A_103 = arith.constant 15 : i32
    %and3A_104 = vector.broadcast %and3A_103 : i32 to vector<16xi32>
    %and3A_105 = arith.andi %add3A_102, %and3A_104 : vector<16xi32>
    %broadcast_in_dim3A_106 = vector.shape_cast %and3A_105 : vector<16xi32> to vector<16x1xi32>
    %gather3A_107 = vector.shape_cast %broadcast_in_dim3A_106 : vector<16x1xi32> to vector<16xi32>
    %gather3A_108 = tpu.dynamic_gather %add3A_99[%gather3A_107] in [0] : vector<16xf32>, vector<16xi32> -> vector<16xf32>
    %add3A_109 = arith.addf %add3A_99, %gather3A_108 : vector<16xf32>
    %add3A_110 = arith.constant 4 : i32
    %add3A_111 = vector.broadcast %add3A_110 : i32 to vector<16xi32>
    %add3A_112 = arith.addi %iota3A, %add3A_111 : vector<16xi32>
    %and3A_113 = arith.constant 15 : i32
    %and3A_114 = vector.broadcast %and3A_113 : i32 to vector<16xi32>
    %and3A_115 = arith.andi %add3A_112, %and3A_114 : vector<16xi32>
    %broadcast_in_dim3A_116 = vector.shape_cast %and3A_115 : vector<16xi32> to vector<16x1xi32>
    %gather3A_117 = vector.shape_cast %broadcast_in_dim3A_116 : vector<16x1xi32> to vector<16xi32>
    %gather3A_118 = tpu.dynamic_gather %add3A_109[%gather3A_117] in [0] : vector<16xf32>, vector<16xi32> -> vector<16xf32>
    %add3A_119 = arith.addf %add3A_109, %gather3A_118 : vector<16xf32>
    %add3A_120 = arith.constant 8 : i32
    %add3A_121 = vector.broadcast %add3A_120 : i32 to vector<16xi32>
    %add3A_122 = arith.addi %iota3A, %add3A_121 : vector<16xi32>
    %and3A_123 = arith.constant 15 : i32
    %and3A_124 = vector.broadcast %and3A_123 : i32 to vector<16xi32>
    %and3A_125 = arith.andi %add3A_122, %and3A_124 : vector<16xi32>
    %broadcast_in_dim3A_126 = vector.shape_cast %and3A_125 : vector<16xi32> to vector<16x1xi32>
    %gather3A_127 = vector.shape_cast %broadcast_in_dim3A_126 : vector<16x1xi32> to vector<16xi32>
    %gather3A_128 = tpu.dynamic_gather %add3A_119[%gather3A_127] in [0] : vector<16xf32>, vector<16xi32> -> vector<16xf32>
    %add3A_129 = arith.addf %add3A_119, %gather3A_128 : vector<16xf32>
    %lt3A = arith.cmpf olt, %add3A_129, %broadcast_in_dim3A_1 : vector<16xf32>
    %select_n3A = arith.select %lt3A, %add3A_129, %broadcast_in_dim3A_1 : vector<16xi1>, vector<16xf32>
    %broadcast_in_dim3A_130 = arith.constant 0 : i32
    %broadcast_in_dim3A_131 = vector.broadcast %broadcast_in_dim3A_130 : i32 to vector<16xi32>
    %select_n3A_132 = arith.select %lt3A, %broadcast_in_dim3A_131, %broadcast_in_dim3A_3 : vector<16xi1>, vector<16xi32>
    %broadcast_in_dim3A_133 = arith.constant 0.000000e+00 : f32
    %broadcast_in_dim3A_134 = vector.broadcast %broadcast_in_dim3A_133 : f32 to vector<16xf32>
    %get3A_135 = arith.constant 0 : index
    %get3A_136 = tpu.vector_load %arg5[%get3A_135] {strides = array<i32>} : memref<128xf32, #tpu.memory_space<vmem>>, vector<16xf32>,
    %get3A_137 = vector.shape_cast %get3A_136 : vector<16xf32> to vector<16xf32>
    %get3A_138 = arith.constant 1 : i32
    %get3A_139 = arith.index_cast %get3A_138 : i32 to index
    %get3A_140 = arith.constant 0 : index
    %get3A_141 = tpu.vector_load %arg6[%get3A_139, %get3A_140] {strides = array<i32>} : memref<8x128xf32, #tpu.memory_space<vmem>>, vector<1x16xf32>,
    %get3A_142 = vector.shape_cast %get3A_141 : vector<1x16xf32> to vector<16xf32>
    %sub3A_143 = arith.subf %get3A_137, %get3A_142 : vector<16xf32>
    %mul3A_144 = arith.mulf %sub3A_143, %sub3A_143 : vector<16xf32>
    %add3A_145 = arith.addf %broadcast_in_dim3A_134, %mul3A_144 : vector<16xf32>
    %get3A_146 = arith.constant 16 : index
    %get3A_147 = tpu.vector_load %arg5[%get3A_146] {strides = array<i32>} : memref<128xf32, #tpu.memory_space<vmem>>, vector<16xf32>,
    %get3A_148 = vector.shape_cast %get3A_147 : vector<16xf32> to vector<16xf32>
    %get3A_149 = arith.constant 1 : i32
    %get3A_150 = arith.index_cast %get3A_149 : i32 to index
    %get3A_151 = arith.constant 16 : index
    %get3A_152 = tpu.vector_load %arg6[%get3A_150, %get3A_151] {strides = array<i32>} : memref<8x128xf32, #tpu.memory_space<vmem>>, vector<1x16xf32>,
    %get3A_153 = vector.shape_cast %get3A_152 : vector<1x16xf32> to vector<16xf32>
    %sub3A_154 = arith.subf %get3A_148, %get3A_153 : vector<16xf32>
    %mul3A_155 = arith.mulf %sub3A_154, %sub3A_154 : vector<16xf32>
    %add3A_156 = arith.addf %add3A_145, %mul3A_155 : vector<16xf32>
    %get3A_157 = arith.constant 32 : index
    %get3A_158 = tpu.vector_load %arg5[%get3A_157] {strides = array<i32>} : memref<128xf32, #tpu.memory_space<vmem>>, vector<16xf32>,
    %get3A_159 = vector.shape_cast %get3A_158 : vector<16xf32> to vector<16xf32>
    %get3A_160 = arith.constant 1 : i32
    %get3A_161 = arith.index_cast %get3A_160 : i32 to index
    %get3A_162 = arith.constant 32 : index
    %get3A_163 = tpu.vector_load %arg6[%get3A_161, %get3A_162] {strides = array<i32>} : memref<8x128xf32, #tpu.memory_space<vmem>>, vector<1x16xf32>,
    %get3A_164 = vector.shape_cast %get3A_163 : vector<1x16xf32> to vector<16xf32>
    %sub3A_165 = arith.subf %get3A_159, %get3A_164 : vector<16xf32>
    %mul3A_166 = arith.mulf %sub3A_165, %sub3A_165 : vector<16xf32>
    %add3A_167 = arith.addf %add3A_156, %mul3A_166 : vector<16xf32>
    %get3A_168 = arith.constant 48 : index
    %get3A_169 = tpu.vector_load %arg5[%get3A_168] {strides = array<i32>} : memref<128xf32, #tpu.memory_space<vmem>>, vector<16xf32>,
    %get3A_170 = vector.shape_cast %get3A_169 : vector<16xf32> to vector<16xf32>
    %get3A_171 = arith.constant 1 : i32
    %get3A_172 = arith.index_cast %get3A_171 : i32 to index
    %get3A_173 = arith.constant 48 : index
    %get3A_174 = tpu.vector_load %arg6[%get3A_172, %get3A_173] {strides = array<i32>} : memref<8x128xf32, #tpu.memory_space<vmem>>, vector<1x16xf32>,
    %get3A_175 = vector.shape_cast %get3A_174 : vector<1x16xf32> to vector<16xf32>
    %sub3A_176 = arith.subf %get3A_170, %get3A_175 : vector<16xf32>
    %mul3A_177 = arith.mulf %sub3A_176, %sub3A_176 : vector<16xf32>
    %add3A_178 = arith.addf %add3A_167, %mul3A_177 : vector<16xf32>
    %get3A_179 = arith.constant 64 : index
    %get3A_180 = tpu.vector_load %arg5[%get3A_179] {strides = array<i32>} : memref<128xf32, #tpu.memory_space<vmem>>, vector<16xf32>,
    %get3A_181 = vector.shape_cast %get3A_180 : vector<16xf32> to vector<16xf32>
    %get3A_182 = arith.constant 1 : i32
    %get3A_183 = arith.index_cast %get3A_182 : i32 to index
    %get3A_184 = arith.constant 64 : index
    %get3A_185 = tpu.vector_load %arg6[%get3A_183, %get3A_184] {strides = array<i32>} : memref<8x128xf32, #tpu.memory_space<vmem>>, vector<1x16xf32>,
    %get3A_186 = vector.shape_cast %get3A_185 : vector<1x16xf32> to vector<16xf32>
    %sub3A_187 = arith.subf %get3A_181, %get3A_186 : vector<16xf32>
    %mul3A_188 = arith.mulf %sub3A_187, %sub3A_187 : vector<16xf32>
    %add3A_189 = arith.addf %add3A_178, %mul3A_188 : vector<16xf32>
    %get3A_190 = arith.constant 80 : index
    %get3A_191 = tpu.vector_load %arg5[%get3A_190] {strides = array<i32>} : memref<128xf32, #tpu.memory_space<vmem>>, vector<16xf32>,
    %get3A_192 = vector.shape_cast %get3A_191 : vector<16xf32> to vector<16xf32>
    %get3A_193 = arith.constant 1 : i32
    %get3A_194 = arith.index_cast %get3A_193 : i32 to index
    %get3A_195 = arith.constant 80 : index
    %get3A_196 = tpu.vector_load %arg6[%get3A_194, %get3A_195] {strides = array<i32>} : memref<8x128xf32, #tpu.memory_space<vmem>>, vector<1x16xf32>,
    %get3A_197 = vector.shape_cast %get3A_196 : vector<1x16xf32> to vector<16xf32>
    %sub3A_198 = arith.subf %get3A_192, %get3A_197 : vector<16xf32>
    %mul3A_199 = arith.mulf %sub3A_198, %sub3A_198 : vector<16xf32>
    %add3A_200 = arith.addf %add3A_189, %mul3A_199 : vector<16xf32>
    %get3A_201 = arith.constant 96 : index
    %get3A_202 = tpu.vector_load %arg5[%get3A_201] {strides = array<i32>} : memref<128xf32, #tpu.memory_space<vmem>>, vector<16xf32>,
    %get3A_203 = vector.shape_cast %get3A_202 : vector<16xf32> to vector<16xf32>
    %get3A_204 = arith.constant 1 : i32
    %get3A_205 = arith.index_cast %get3A_204 : i32 to index
    %get3A_206 = arith.constant 96 : index
    %get3A_207 = tpu.vector_load %arg6[%get3A_205, %get3A_206] {strides = array<i32>} : memref<8x128xf32, #tpu.memory_space<vmem>>, vector<1x16xf32>,
    %get3A_208 = vector.shape_cast %get3A_207 : vector<1x16xf32> to vector<16xf32>
    %sub3A_209 = arith.subf %get3A_203, %get3A_208 : vector<16xf32>
    %mul3A_210 = arith.mulf %sub3A_209, %sub3A_209 : vector<16xf32>
    %add3A_211 = arith.addf %add3A_200, %mul3A_210 : vector<16xf32>
    %get3A_212 = arith.constant 112 : index
    %get3A_213 = tpu.vector_load %arg5[%get3A_212] {strides = array<i32>} : memref<128xf32, #tpu.memory_space<vmem>>, vector<16xf32>,
    %get3A_214 = vector.shape_cast %get3A_213 : vector<16xf32> to vector<16xf32>
    %get3A_215 = arith.constant 1 : i32
    %get3A_216 = arith.index_cast %get3A_215 : i32 to index
    %get3A_217 = arith.constant 112 : index
    %get3A_218 = tpu.vector_load %arg6[%get3A_216, %get3A_217] {strides = array<i32>} : memref<8x128xf32, #tpu.memory_space<vmem>>, vector<1x16xf32>,
    %get3A_219 = vector.shape_cast %get3A_218 : vector<1x16xf32> to vector<16xf32>
    %sub3A_220 = arith.subf %get3A_214, %get3A_219 : vector<16xf32>
    %mul3A_221 = arith.mulf %sub3A_220, %sub3A_220 : vector<16xf32>
    %add3A_222 = arith.addf %add3A_211, %mul3A_221 : vector<16xf32>
    %iota3A_223 = tpu.iota {dimensions = array<i32: 0>} : vector<16xi32>
    %add3A_224 = arith.constant 1 : i32
    %add3A_225 = vector.broadcast %add3A_224 : i32 to vector<16xi32>
    %add3A_226 = arith.addi %iota3A_223, %add3A_225 : vector<16xi32>
    %and3A_227 = arith.constant 15 : i32
    %and3A_228 = vector.broadcast %and3A_227 : i32 to vector<16xi32>
    %and3A_229 = arith.andi %add3A_226, %and3A_228 : vector<16xi32>
    %broadcast_in_dim3A_230 = vector.shape_cast %and3A_229 : vector<16xi32> to vector<16x1xi32>
    %gather3A_231 = vector.shape_cast %broadcast_in_dim3A_230 : vector<16x1xi32> to vector<16xi32>
    %gather3A_232 = tpu.dynamic_gather %add3A_222[%gather3A_231] in [0] : vector<16xf32>, vector<16xi32> -> vector<16xf32>
    %add3A_233 = arith.addf %add3A_222, %gather3A_232 : vector<16xf32>
    %add3A_234 = arith.constant 2 : i32
    %add3A_235 = vector.broadcast %add3A_234 : i32 to vector<16xi32>
    %add3A_236 = arith.addi %iota3A_223, %add3A_235 : vector<16xi32>
    %and3A_237 = arith.constant 15 : i32
    %and3A_238 = vector.broadcast %and3A_237 : i32 to vector<16xi32>
    %and3A_239 = arith.andi %add3A_236, %and3A_238 : vector<16xi32>
    %broadcast_in_dim3A_240 = vector.shape_cast %and3A_239 : vector<16xi32> to vector<16x1xi32>
    %gather3A_241 = vector.shape_cast %broadcast_in_dim3A_240 : vector<16x1xi32> to vector<16xi32>
    %gather3A_242 = tpu.dynamic_gather %add3A_233[%gather3A_241] in [0] : vector<16xf32>, vector<16xi32> -> vector<16xf32>
    %add3A_243 = arith.addf %add3A_233, %gather3A_242 : vector<16xf32>
    %add3A_244 = arith.constant 4 : i32
    %add3A_245 = vector.broadcast %add3A_244 : i32 to vector<16xi32>
    %add3A_246 = arith.addi %iota3A_223, %add3A_245 : vector<16xi32>
    %and3A_247 = arith.constant 15 : i32
    %and3A_248 = vector.broadcast %and3A_247 : i32 to vector<16xi32>
    %and3A_249 = arith.andi %add3A_246, %and3A_248 : vector<16xi32>
    %broadcast_in_dim3A_250 = vector.shape_cast %and3A_249 : vector<16xi32> to vector<16x1xi32>
    %gather3A_251 = vector.shape_cast %broadcast_in_dim3A_250 : vector<16x1xi32> to vector<16xi32>
    %gather3A_252 = tpu.dynamic_gather %add3A_243[%gather3A_251] in [0] : vector<16xf32>, vector<16xi32> -> vector<16xf32>
    %add3A_253 = arith.addf %add3A_243, %gather3A_252 : vector<16xf32>
    %add3A_254 = arith.constant 8 : i32
    %add3A_255 = vector.broadcast %add3A_254 : i32 to vector<16xi32>
    %add3A_256 = arith.addi %iota3A_223, %add3A_255 : vector<16xi32>
    %and3A_257 = arith.constant 15 : i32
    %and3A_258 = vector.broadcast %and3A_257 : i32 to vector<16xi32>
    %and3A_259 = arith.andi %add3A_256, %and3A_258 : vector<16xi32>
    %broadcast_in_dim3A_260 = vector.shape_cast %and3A_259 : vector<16xi32> to vector<16x1xi32>
    %gather3A_261 = vector.shape_cast %broadcast_in_dim3A_260 : vector<16x1xi32> to vector<16xi32>
    %gather3A_262 = tpu.dynamic_gather %add3A_253[%gather3A_261] in [0] : vector<16xf32>, vector<16xi32> -> vector<16xf32>
    %add3A_263 = arith.addf %add3A_253, %gather3A_262 : vector<16xf32>
    %lt3A_264 = arith.cmpf olt, %add3A_263, %select_n3A : vector<16xf32>
    %select_n3A_265 = arith.select %lt3A_264, %add3A_263, %select_n3A : vector<16xi1>, vector<16xf32>
    %broadcast_in_dim3A_266 = arith.constant 1 : i32
    %broadcast_in_dim3A_267 = vector.broadcast %broadcast_in_dim3A_266 : i32 to vector<16xi32>
    %select_n3A_268 = arith.select %lt3A_264, %broadcast_in_dim3A_267, %select_n3A_132 : vector<16xi1>, vector<16xi32>
    %broadcast_in_dim3A_269 = arith.constant 0.000000e+00 : f32
    %broadcast_in_dim3A_270 = vector.broadcast %broadcast_in_dim3A_269 : f32 to vector<16xf32>
    %get3A_271 = arith.constant 0 : index
    %get3A_272 = tpu.vector_load %arg5[%get3A_271] {strides = array<i32>} : memref<128xf32, #tpu.memory_space<vmem>>, vector<16xf32>,
    %get3A_273 = vector.shape_cast %get3A_272 : vector<16xf32> to vector<16xf32>
    %get3A_274 = arith.constant 2 : i32
    %get3A_275 = arith.index_cast %get3A_274 : i32 to index
    %get3A_276 = arith.constant 0 : index
    %get3A_277 = tpu.vector_load %arg6[%get3A_275, %get3A_276] {strides = array<i32>} : memref<8x128xf32, #tpu.memory_space<vmem>>, vector<1x16xf32>,
    %get3A_278 = vector.shape_cast %get3A_277 : vector<1x16xf32> to vector<16xf32>
    %sub3A_279 = arith.subf %get3A_273, %get3A_278 : vector<16xf32>
    %mul3A_280 = arith.mulf %sub3A_279, %sub3A_279 : vector<16xf32>
    %add3A_281 = arith.addf %broadcast_in_dim3A_270, %mul3A_280 : vector<16xf32>
    %get3A_282 = arith.constant 16 : index
    %get3A_283 = tpu.vector_load %arg5[%get3A_282] {strides = array<i32>} : memref<128xf32, #tpu.memory_space<vmem>>, vector<16xf32>,
    %get3A_284 = vector.shape_cast %get3A_283 : vector<16xf32> to vector<16xf32>
    %get3A_285 = arith.constant 2 : i32
    %get3A_286 = arith.index_cast %get3A_285 : i32 to index
    %get3A_287 = arith.constant 16 : index
    %get3A_288 = tpu.vector_load %arg6[%get3A_286, %get3A_287] {strides = array<i32>} : memref<8x128xf32, #tpu.memory_space<vmem>>, vector<1x16xf32>,
    %get3A_289 = vector.shape_cast %get3A_288 : vector<1x16xf32> to vector<16xf32>
    %sub3A_290 = arith.subf %get3A_284, %get3A_289 : vector<16xf32>
    %mul3A_291 = arith.mulf %sub3A_290, %sub3A_290 : vector<16xf32>
    %add3A_292 = arith.addf %add3A_281, %mul3A_291 : vector<16xf32>
    %get3A_293 = arith.constant 32 : index
    %get3A_294 = tpu.vector_load %arg5[%get3A_293] {strides = array<i32>} : memref<128xf32, #tpu.memory_space<vmem>>, vector<16xf32>,
    %get3A_295 = vector.shape_cast %get3A_294 : vector<16xf32> to vector<16xf32>
    %get3A_296 = arith.constant 2 : i32
    %get3A_297 = arith.index_cast %get3A_296 : i32 to index
    %get3A_298 = arith.constant 32 : index
    %get3A_299 = tpu.vector_load %arg6[%get3A_297, %get3A_298] {strides = array<i32>} : memref<8x128xf32, #tpu.memory_space<vmem>>, vector<1x16xf32>,
    %get3A_300 = vector.shape_cast %get3A_299 : vector<1x16xf32> to vector<16xf32>
    %sub3A_301 = arith.subf %get3A_295, %get3A_300 : vector<16xf32>
    %mul3A_302 = arith.mulf %sub3A_301, %sub3A_301 : vector<16xf32>
    %add3A_303 = arith.addf %add3A_292, %mul3A_302 : vector<16xf32>
    %get3A_304 = arith.constant 48 : index
    %get3A_305 = tpu.vector_load %arg5[%get3A_304] {strides = array<i32>} : memref<128xf32, #tpu.memory_space<vmem>>, vector<16xf32>,
    %get3A_306 = vector.shape_cast %get3A_305 : vector<16xf32> to vector<16xf32>
    %get3A_307 = arith.constant 2 : i32
    %get3A_308 = arith.index_cast %get3A_307 : i32 to index
    %get3A_309 = arith.constant 48 : index
    %get3A_310 = tpu.vector_load %arg6[%get3A_308, %get3A_309] {strides = array<i32>} : memref<8x128xf32, #tpu.memory_space<vmem>>, vector<1x16xf32>,
    %get3A_311 = vector.shape_cast %get3A_310 : vector<1x16xf32> to vector<16xf32>
    %sub3A_312 = arith.subf %get3A_306, %get3A_311 : vector<16xf32>
    %mul3A_313 = arith.mulf %sub3A_312, %sub3A_312 : vector<16xf32>
    %add3A_314 = arith.addf %add3A_303, %mul3A_313 : vector<16xf32>
    %get3A_315 = arith.constant 64 : index
    %get3A_316 = tpu.vector_load %arg5[%get3A_315] {strides = array<i32>} : memref<128xf32, #tpu.memory_space<vmem>>, vector<16xf32>,
    %get3A_317 = vector.shape_cast %get3A_316 : vector<16xf32> to vector<16xf32>
    %get3A_318 = arith.constant 2 : i32
    %get3A_319 = arith.index_cast %get3A_318 : i32 to index
    %get3A_320 = arith.constant 64 : index
    %get3A_321 = tpu.vector_load %arg6[%get3A_319, %get3A_320] {strides = array<i32>} : memref<8x128xf32, #tpu.memory_space<vmem>>, vector<1x16xf32>,
    %get3A_322 = vector.shape_cast %get3A_321 : vector<1x16xf32> to vector<16xf32>
    %sub3A_323 = arith.subf %get3A_317, %get3A_322 : vector<16xf32>
    %mul3A_324 = arith.mulf %sub3A_323, %sub3A_323 : vector<16xf32>
    %add3A_325 = arith.addf %add3A_314, %mul3A_324 : vector<16xf32>
    %get3A_326 = arith.constant 80 : index
    %get3A_327 = tpu.vector_load %arg5[%get3A_326] {strides = array<i32>} : memref<128xf32, #tpu.memory_space<vmem>>, vector<16xf32>,
    %get3A_328 = vector.shape_cast %get3A_327 : vector<16xf32> to vector<16xf32>
    %get3A_329 = arith.constant 2 : i32
    %get3A_330 = arith.index_cast %get3A_329 : i32 to index
    %get3A_331 = arith.constant 80 : index
    %get3A_332 = tpu.vector_load %arg6[%get3A_330, %get3A_331] {strides = array<i32>} : memref<8x128xf32, #tpu.memory_space<vmem>>, vector<1x16xf32>,
    %get3A_333 = vector.shape_cast %get3A_332 : vector<1x16xf32> to vector<16xf32>
    %sub3A_334 = arith.subf %get3A_328, %get3A_333 : vector<16xf32>
    %mul3A_335 = arith.mulf %sub3A_334, %sub3A_334 : vector<16xf32>
    %add3A_336 = arith.addf %add3A_325, %mul3A_335 : vector<16xf32>
    %get3A_337 = arith.constant 96 : index
    %get3A_338 = tpu.vector_load %arg5[%get3A_337] {strides = array<i32>} : memref<128xf32, #tpu.memory_space<vmem>>, vector<16xf32>,
    %get3A_339 = vector.shape_cast %get3A_338 : vector<16xf32> to vector<16xf32>
    %get3A_340 = arith.constant 2 : i32
    %get3A_341 = arith.index_cast %get3A_340 : i32 to index
    %get3A_342 = arith.constant 96 : index
    %get3A_343 = tpu.vector_load %arg6[%get3A_341, %get3A_342] {strides = array<i32>} : memref<8x128xf32, #tpu.memory_space<vmem>>, vector<1x16xf32>,
    %get3A_344 = vector.shape_cast %get3A_343 : vector<1x16xf32> to vector<16xf32>
    %sub3A_345 = arith.subf %get3A_339, %get3A_344 : vector<16xf32>
    %mul3A_346 = arith.mulf %sub3A_345, %sub3A_345 : vector<16xf32>
    %add3A_347 = arith.addf %add3A_336, %mul3A_346 : vector<16xf32>
    %get3A_348 = arith.constant 112 : index
    %get3A_349 = tpu.vector_load %arg5[%get3A_348] {strides = array<i32>} : memref<128xf32, #tpu.memory_space<vmem>>, vector<16xf32>,
    %get3A_350 = vector.shape_cast %get3A_349 : vector<16xf32> to vector<16xf32>
    %get3A_351 = arith.constant 2 : i32
    %get3A_352 = arith.index_cast %get3A_351 : i32 to index
    %get3A_353 = arith.constant 112 : index
    %get3A_354 = tpu.vector_load %arg6[%get3A_352, %get3A_353] {strides = array<i32>} : memref<8x128xf32, #tpu.memory_space<vmem>>, vector<1x16xf32>,
    %get3A_355 = vector.shape_cast %get3A_354 : vector<1x16xf32> to vector<16xf32>
    %sub3A_356 = arith.subf %get3A_350, %get3A_355 : vector<16xf32>
    %mul3A_357 = arith.mulf %sub3A_356, %sub3A_356 : vector<16xf32>
    %add3A_358 = arith.addf %add3A_347, %mul3A_357 : vector<16xf32>
    %iota3A_359 = tpu.iota {dimensions = array<i32: 0>} : vector<16xi32>
    %add3A_360 = arith.constant 1 : i32
    %add3A_361 = vector.broadcast %add3A_360 : i32 to vector<16xi32>
    %add3A_362 = arith.addi %iota3A_359, %add3A_361 : vector<16xi32>
    %and3A_363 = arith.constant 15 : i32
    %and3A_364 = vector.broadcast %and3A_363 : i32 to vector<16xi32>
    %and3A_365 = arith.andi %add3A_362, %and3A_364 : vector<16xi32>
    %broadcast_in_dim3A_366 = vector.shape_cast %and3A_365 : vector<16xi32> to vector<16x1xi32>
    %gather3A_367 = vector.shape_cast %broadcast_in_dim3A_366 : vector<16x1xi32> to vector<16xi32>
    %gather3A_368 = tpu.dynamic_gather %add3A_358[%gather3A_367] in [0] : vector<16xf32>, vector<16xi32> -> vector<16xf32>
    %add3A_369 = arith.addf %add3A_358, %gather3A_368 : vector<16xf32>
    %add3A_370 = arith.constant 2 : i32
    %add3A_371 = vector.broadcast %add3A_370 : i32 to vector<16xi32>
    %add3A_372 = arith.addi %iota3A_359, %add3A_371 : vector<16xi32>
    %and3A_373 = arith.constant 15 : i32
    %and3A_374 = vector.broadcast %and3A_373 : i32 to vector<16xi32>
    %and3A_375 = arith.andi %add3A_372, %and3A_374 : vector<16xi32>
    %broadcast_in_dim3A_376 = vector.shape_cast %and3A_375 : vector<16xi32> to vector<16x1xi32>
    %gather3A_377 = vector.shape_cast %broadcast_in_dim3A_376 : vector<16x1xi32> to vector<16xi32>
    %gather3A_378 = tpu.dynamic_gather %add3A_369[%gather3A_377] in [0] : vector<16xf32>, vector<16xi32> -> vector<16xf32>
    %add3A_379 = arith.addf %add3A_369, %gather3A_378 : vector<16xf32>
    %add3A_380 = arith.constant 4 : i32
    %add3A_381 = vector.broadcast %add3A_380 : i32 to vector<16xi32>
    %add3A_382 = arith.addi %iota3A_359, %add3A_381 : vector<16xi32>
    %and3A_383 = arith.constant 15 : i32
    %and3A_384 = vector.broadcast %and3A_383 : i32 to vector<16xi32>
    %and3A_385 = arith.andi %add3A_382, %and3A_384 : vector<16xi32>
    %broadcast_in_dim3A_386 = vector.shape_cast %and3A_385 : vector<16xi32> to vector<16x1xi32>
    %gather3A_387 = vector.shape_cast %broadcast_in_dim3A_386 : vector<16x1xi32> to vector<16xi32>
    %gather3A_388 = tpu.dynamic_gather %add3A_379[%gather3A_387] in [0] : vector<16xf32>, vector<16xi32> -> vector<16xf32>
    %add3A_389 = arith.addf %add3A_379, %gather3A_388 : vector<16xf32>
    %add3A_390 = arith.constant 8 : i32
    %add3A_391 = vector.broadcast %add3A_390 : i32 to vector<16xi32>
    %add3A_392 = arith.addi %iota3A_359, %add3A_391 : vector<16xi32>
    %and3A_393 = arith.constant 15 : i32
    %and3A_394 = vector.broadcast %and3A_393 : i32 to vector<16xi32>
    %and3A_395 = arith.andi %add3A_392, %and3A_394 : vector<16xi32>
    %broadcast_in_dim3A_396 = vector.shape_cast %and3A_395 : vector<16xi32> to vector<16x1xi32>
    %gather3A_397 = vector.shape_cast %broadcast_in_dim3A_396 : vector<16x1xi32> to vector<16xi32>
    %gather3A_398 = tpu.dynamic_gather %add3A_389[%gather3A_397] in [0] : vector<16xf32>, vector<16xi32> -> vector<16xf32>
    %add3A_399 = arith.addf %add3A_389, %gather3A_398 : vector<16xf32>
    %lt3A_400 = arith.cmpf olt, %add3A_399, %select_n3A_265 : vector<16xf32>
    %select_n3A_401 = arith.select %lt3A_400, %add3A_399, %select_n3A_265 : vector<16xi1>, vector<16xf32>
    %broadcast_in_dim3A_402 = arith.constant 2 : i32
    %broadcast_in_dim3A_403 = vector.broadcast %broadcast_in_dim3A_402 : i32 to vector<16xi32>
    %select_n3A_404 = arith.select %lt3A_400, %broadcast_in_dim3A_403, %select_n3A_268 : vector<16xi1>, vector<16xi32>
    %broadcast_in_dim3A_405 = arith.constant 0.000000e+00 : f32
    %broadcast_in_dim3A_406 = vector.broadcast %broadcast_in_dim3A_405 : f32 to vector<16xf32>
    %get3A_407 = arith.constant 0 : index
    %get3A_408 = tpu.vector_load %arg5[%get3A_407] {strides = array<i32>} : memref<128xf32, #tpu.memory_space<vmem>>, vector<16xf32>,
    %get3A_409 = vector.shape_cast %get3A_408 : vector<16xf32> to vector<16xf32>
    %get3A_410 = arith.constant 3 : i32
    %get3A_411 = arith.index_cast %get3A_410 : i32 to index
    %get3A_412 = arith.constant 0 : index
    %get3A_413 = tpu.vector_load %arg6[%get3A_411, %get3A_412] {strides = array<i32>} : memref<8x128xf32, #tpu.memory_space<vmem>>, vector<1x16xf32>,
    %get3A_414 = vector.shape_cast %get3A_413 : vector<1x16xf32> to vector<16xf32>
    %sub3A_415 = arith.subf %get3A_409, %get3A_414 : vector<16xf32>
    %mul3A_416 = arith.mulf %sub3A_415, %sub3A_415 : vector<16xf32>
    %add3A_417 = arith.addf %broadcast_in_dim3A_406, %mul3A_416 : vector<16xf32>
    %get3A_418 = arith.constant 16 : index
    %get3A_419 = tpu.vector_load %arg5[%get3A_418] {strides = array<i32>} : memref<128xf32, #tpu.memory_space<vmem>>, vector<16xf32>,
    %get3A_420 = vector.shape_cast %get3A_419 : vector<16xf32> to vector<16xf32>
    %get3A_421 = arith.constant 3 : i32
    %get3A_422 = arith.index_cast %get3A_421 : i32 to index
    %get3A_423 = arith.constant 16 : index
    %get3A_424 = tpu.vector_load %arg6[%get3A_422, %get3A_423] {strides = array<i32>} : memref<8x128xf32, #tpu.memory_space<vmem>>, vector<1x16xf32>,
    %get3A_425 = vector.shape_cast %get3A_424 : vector<1x16xf32> to vector<16xf32>
    %sub3A_426 = arith.subf %get3A_420, %get3A_425 : vector<16xf32>
    %mul3A_427 = arith.mulf %sub3A_426, %sub3A_426 : vector<16xf32>
    %add3A_428 = arith.addf %add3A_417, %mul3A_427 : vector<16xf32>
    %get3A_429 = arith.constant 32 : index
    %get3A_430 = tpu.vector_load %arg5[%get3A_429] {strides = array<i32>} : memref<128xf32, #tpu.memory_space<vmem>>, vector<16xf32>,
    %get3A_431 = vector.shape_cast %get3A_430 : vector<16xf32> to vector<16xf32>
    %get3A_432 = arith.constant 3 : i32
    %get3A_433 = arith.index_cast %get3A_432 : i32 to index
    %get3A_434 = arith.constant 32 : index
    %get3A_435 = tpu.vector_load %arg6[%get3A_433, %get3A_434] {strides = array<i32>} : memref<8x128xf32, #tpu.memory_space<vmem>>, vector<1x16xf32>,
    %get3A_436 = vector.shape_cast %get3A_435 : vector<1x16xf32> to vector<16xf32>
    %sub3A_437 = arith.subf %get3A_431, %get3A_436 : vector<16xf32>
    %mul3A_438 = arith.mulf %sub3A_437, %sub3A_437 : vector<16xf32>
    %add3A_439 = arith.addf %add3A_428, %mul3A_438 : vector<16xf32>
    %get3A_440 = arith.constant 48 : index
    %get3A_441 = tpu.vector_load %arg5[%get3A_440] {strides = array<i32>} : memref<128xf32, #tpu.memory_space<vmem>>, vector<16xf32>,
    %get3A_442 = vector.shape_cast %get3A_441 : vector<16xf32> to vector<16xf32>
    %get3A_443 = arith.constant 3 : i32
    %get3A_444 = arith.index_cast %get3A_443 : i32 to index
    %get3A_445 = arith.constant 48 : index
    %get3A_446 = tpu.vector_load %arg6[%get3A_444, %get3A_445] {strides = array<i32>} : memref<8x128xf32, #tpu.memory_space<vmem>>, vector<1x16xf32>,
    %get3A_447 = vector.shape_cast %get3A_446 : vector<1x16xf32> to vector<16xf32>
    %sub3A_448 = arith.subf %get3A_442, %get3A_447 : vector<16xf32>
    %mul3A_449 = arith.mulf %sub3A_448, %sub3A_448 : vector<16xf32>
    %add3A_450 = arith.addf %add3A_439, %mul3A_449 : vector<16xf32>
    %get3A_451 = arith.constant 64 : index
    %get3A_452 = tpu.vector_load %arg5[%get3A_451] {strides = array<i32>} : memref<128xf32, #tpu.memory_space<vmem>>, vector<16xf32>,
    %get3A_453 = vector.shape_cast %get3A_452 : vector<16xf32> to vector<16xf32>
    %get3A_454 = arith.constant 3 : i32
    %get3A_455 = arith.index_cast %get3A_454 : i32 to index
    %get3A_456 = arith.constant 64 : index
    %get3A_457 = tpu.vector_load %arg6[%get3A_455, %get3A_456] {strides = array<i32>} : memref<8x128xf32, #tpu.memory_space<vmem>>, vector<1x16xf32>,
    %get3A_458 = vector.shape_cast %get3A_457 : vector<1x16xf32> to vector<16xf32>
    %sub3A_459 = arith.subf %get3A_453, %get3A_458 : vector<16xf32>
    %mul3A_460 = arith.mulf %sub3A_459, %sub3A_459 : vector<16xf32>
    %add3A_461 = arith.addf %add3A_450, %mul3A_460 : vector<16xf32>
    %get3A_462 = arith.constant 80 : index
    %get3A_463 = tpu.vector_load %arg5[%get3A_462] {strides = array<i32>} : memref<128xf32, #tpu.memory_space<vmem>>, vector<16xf32>,
    %get3A_464 = vector.shape_cast %get3A_463 : vector<16xf32> to vector<16xf32>
    %get3A_465 = arith.constant 3 : i32
    %get3A_466 = arith.index_cast %get3A_465 : i32 to index
    %get3A_467 = arith.constant 80 : index
    %get3A_468 = tpu.vector_load %arg6[%get3A_466, %get3A_467] {strides = array<i32>} : memref<8x128xf32, #tpu.memory_space<vmem>>, vector<1x16xf32>,
    %get3A_469 = vector.shape_cast %get3A_468 : vector<1x16xf32> to vector<16xf32>
    %sub3A_470 = arith.subf %get3A_464, %get3A_469 : vector<16xf32>
    %mul3A_471 = arith.mulf %sub3A_470, %sub3A_470 : vector<16xf32>
    %add3A_472 = arith.addf %add3A_461, %mul3A_471 : vector<16xf32>
    %get3A_473 = arith.constant 96 : index
    %get3A_474 = tpu.vector_load %arg5[%get3A_473] {strides = array<i32>} : memref<128xf32, #tpu.memory_space<vmem>>, vector<16xf32>,
    %get3A_475 = vector.shape_cast %get3A_474 : vector<16xf32> to vector<16xf32>
    %get3A_476 = arith.constant 3 : i32
    %get3A_477 = arith.index_cast %get3A_476 : i32 to index
    %get3A_478 = arith.constant 96 : index
    %get3A_479 = tpu.vector_load %arg6[%get3A_477, %get3A_478] {strides = array<i32>} : memref<8x128xf32, #tpu.memory_space<vmem>>, vector<1x16xf32>,
    %get3A_480 = vector.shape_cast %get3A_479 : vector<1x16xf32> to vector<16xf32>
    %sub3A_481 = arith.subf %get3A_475, %get3A_480 : vector<16xf32>
    %mul3A_482 = arith.mulf %sub3A_481, %sub3A_481 : vector<16xf32>
    %add3A_483 = arith.addf %add3A_472, %mul3A_482 : vector<16xf32>
    %get3A_484 = arith.constant 112 : index
    %get3A_485 = tpu.vector_load %arg5[%get3A_484] {strides = array<i32>} : memref<128xf32, #tpu.memory_space<vmem>>, vector<16xf32>,
    %get3A_486 = vector.shape_cast %get3A_485 : vector<16xf32> to vector<16xf32>
    %get3A_487 = arith.constant 3 : i32
    %get3A_488 = arith.index_cast %get3A_487 : i32 to index
    %get3A_489 = arith.constant 112 : index
    %get3A_490 = tpu.vector_load %arg6[%get3A_488, %get3A_489] {strides = array<i32>} : memref<8x128xf32, #tpu.memory_space<vmem>>, vector<1x16xf32>,
    %get3A_491 = vector.shape_cast %get3A_490 : vector<1x16xf32> to vector<16xf32>
    %sub3A_492 = arith.subf %get3A_486, %get3A_491 : vector<16xf32>
    %mul3A_493 = arith.mulf %sub3A_492, %sub3A_492 : vector<16xf32>
    %add3A_494 = arith.addf %add3A_483, %mul3A_493 : vector<16xf32>
    %iota3A_495 = tpu.iota {dimensions = array<i32: 0>} : vector<16xi32>
    %add3A_496 = arith.constant 1 : i32
    %add3A_497 = vector.broadcast %add3A_496 : i32 to vector<16xi32>
    %add3A_498 = arith.addi %iota3A_495, %add3A_497 : vector<16xi32>
    %and3A_499 = arith.constant 15 : i32
    %and3A_500 = vector.broadcast %and3A_499 : i32 to vector<16xi32>
    %and3A_501 = arith.andi %add3A_498, %and3A_500 : vector<16xi32>
    %broadcast_in_dim3A_502 = vector.shape_cast %and3A_501 : vector<16xi32> to vector<16x1xi32>
    %gather3A_503 = vector.shape_cast %broadcast_in_dim3A_502 : vector<16x1xi32> to vector<16xi32>
    %gather3A_504 = tpu.dynamic_gather %add3A_494[%gather3A_503] in [0] : vector<16xf32>, vector<16xi32> -> vector<16xf32>
    %add3A_505 = arith.addf %add3A_494, %gather3A_504 : vector<16xf32>
    %add3A_506 = arith.constant 2 : i32
    %add3A_507 = vector.broadcast %add3A_506 : i32 to vector<16xi32>
    %add3A_508 = arith.addi %iota3A_495, %add3A_507 : vector<16xi32>
    %and3A_509 = arith.constant 15 : i32
    %and3A_510 = vector.broadcast %and3A_509 : i32 to vector<16xi32>
    %and3A_511 = arith.andi %add3A_508, %and3A_510 : vector<16xi32>
    %broadcast_in_dim3A_512 = vector.shape_cast %and3A_511 : vector<16xi32> to vector<16x1xi32>
    %gather3A_513 = vector.shape_cast %broadcast_in_dim3A_512 : vector<16x1xi32> to vector<16xi32>
    %gather3A_514 = tpu.dynamic_gather %add3A_505[%gather3A_513] in [0] : vector<16xf32>, vector<16xi32> -> vector<16xf32>
    %add3A_515 = arith.addf %add3A_505, %gather3A_514 : vector<16xf32>
    %add3A_516 = arith.constant 4 : i32
    %add3A_517 = vector.broadcast %add3A_516 : i32 to vector<16xi32>
    %add3A_518 = arith.addi %iota3A_495, %add3A_517 : vector<16xi32>
    %and3A_519 = arith.constant 15 : i32
    %and3A_520 = vector.broadcast %and3A_519 : i32 to vector<16xi32>
    %and3A_521 = arith.andi %add3A_518, %and3A_520 : vector<16xi32>
    %broadcast_in_dim3A_522 = vector.shape_cast %and3A_521 : vector<16xi32> to vector<16x1xi32>
    %gather3A_523 = vector.shape_cast %broadcast_in_dim3A_522 : vector<16x1xi32> to vector<16xi32>
    %gather3A_524 = tpu.dynamic_gather %add3A_515[%gather3A_523] in [0] : vector<16xf32>, vector<16xi32> -> vector<16xf32>
    %add3A_525 = arith.addf %add3A_515, %gather3A_524 : vector<16xf32>
    %add3A_526 = arith.constant 8 : i32
    %add3A_527 = vector.broadcast %add3A_526 : i32 to vector<16xi32>
    %add3A_528 = arith.addi %iota3A_495, %add3A_527 : vector<16xi32>
    %and3A_529 = arith.constant 15 : i32
    %and3A_530 = vector.broadcast %and3A_529 : i32 to vector<16xi32>
    %and3A_531 = arith.andi %add3A_528, %and3A_530 : vector<16xi32>
    %broadcast_in_dim3A_532 = vector.shape_cast %and3A_531 : vector<16xi32> to vector<16x1xi32>
    %gather3A_533 = vector.shape_cast %broadcast_in_dim3A_532 : vector<16x1xi32> to vector<16xi32>
    %gather3A_534 = tpu.dynamic_gather %add3A_525[%gather3A_533] in [0] : vector<16xf32>, vector<16xi32> -> vector<16xf32>
    %add3A_535 = arith.addf %add3A_525, %gather3A_534 : vector<16xf32>
    %lt3A_536 = arith.cmpf olt, %add3A_535, %select_n3A_401 : vector<16xf32>
    %select_n3A_537 = arith.select %lt3A_536, %add3A_535, %select_n3A_401 : vector<16xi1>, vector<16xf32>
    %broadcast_in_dim3A_538 = arith.constant 3 : i32
    %broadcast_in_dim3A_539 = vector.broadcast %broadcast_in_dim3A_538 : i32 to vector<16xi32>
    %select_n3A_540 = arith.select %lt3A_536, %broadcast_in_dim3A_539, %select_n3A_404 : vector<16xi1>, vector<16xi32>
    %broadcast_in_dim3A_541 = arith.constant 0.000000e+00 : f32
    %broadcast_in_dim3A_542 = vector.broadcast %broadcast_in_dim3A_541 : f32 to vector<16xf32>
    %get3A_543 = arith.constant 0 : index
    %get3A_544 = tpu.vector_load %arg5[%get3A_543] {strides = array<i32>} : memref<128xf32, #tpu.memory_space<vmem>>, vector<16xf32>,
    %get3A_545 = vector.shape_cast %get3A_544 : vector<16xf32> to vector<16xf32>
    %get3A_546 = arith.constant 4 : i32
    %get3A_547 = arith.index_cast %get3A_546 : i32 to index
    %get3A_548 = arith.constant 0 : index
    %get3A_549 = tpu.vector_load %arg6[%get3A_547, %get3A_548] {strides = array<i32>} : memref<8x128xf32, #tpu.memory_space<vmem>>, vector<1x16xf32>,
    %get3A_550 = vector.shape_cast %get3A_549 : vector<1x16xf32> to vector<16xf32>
    %sub3A_551 = arith.subf %get3A_545, %get3A_550 : vector<16xf32>
    %mul3A_552 = arith.mulf %sub3A_551, %sub3A_551 : vector<16xf32>
    %add3A_553 = arith.addf %broadcast_in_dim3A_542, %mul3A_552 : vector<16xf32>
    %get3A_554 = arith.constant 16 : index
    %get3A_555 = tpu.vector_load %arg5[%get3A_554] {strides = array<i32>} : memref<128xf32, #tpu.memory_space<vmem>>, vector<16xf32>,
    %get3A_556 = vector.shape_cast %get3A_555 : vector<16xf32> to vector<16xf32>
    %get3A_557 = arith.constant 4 : i32
    %get3A_558 = arith.index_cast %get3A_557 : i32 to index
    %get3A_559 = arith.constant 16 : index
    %get3A_560 = tpu.vector_load %arg6[%get3A_558, %get3A_559] {strides = array<i32>} : memref<8x128xf32, #tpu.memory_space<vmem>>, vector<1x16xf32>,
    %get3A_561 = vector.shape_cast %get3A_560 : vector<1x16xf32> to vector<16xf32>
    %sub3A_562 = arith.subf %get3A_556, %get3A_561 : vector<16xf32>
    %mul3A_563 = arith.mulf %sub3A_562, %sub3A_562 : vector<16xf32>
    %add3A_564 = arith.addf %add3A_553, %mul3A_563 : vector<16xf32>
    %get3A_565 = arith.constant 32 : index
    %get3A_566 = tpu.vector_load %arg5[%get3A_565] {strides = array<i32>} : memref<128xf32, #tpu.memory_space<vmem>>, vector<16xf32>,
    %get3A_567 = vector.shape_cast %get3A_566 : vector<16xf32> to vector<16xf32>
    %get3A_568 = arith.constant 4 : i32
    %get3A_569 = arith.index_cast %get3A_568 : i32 to index
    %get3A_570 = arith.constant 32 : index
    %get3A_571 = tpu.vector_load %arg6[%get3A_569, %get3A_570] {strides = array<i32>} : memref<8x128xf32, #tpu.memory_space<vmem>>, vector<1x16xf32>,
    %get3A_572 = vector.shape_cast %get3A_571 : vector<1x16xf32> to vector<16xf32>
    %sub3A_573 = arith.subf %get3A_567, %get3A_572 : vector<16xf32>
    %mul3A_574 = arith.mulf %sub3A_573, %sub3A_573 : vector<16xf32>
    %add3A_575 = arith.addf %add3A_564, %mul3A_574 : vector<16xf32>
    %get3A_576 = arith.constant 48 : index
    %get3A_577 = tpu.vector_load %arg5[%get3A_576] {strides = array<i32>} : memref<128xf32, #tpu.memory_space<vmem>>, vector<16xf32>,
    %get3A_578 = vector.shape_cast %get3A_577 : vector<16xf32> to vector<16xf32>
    %get3A_579 = arith.constant 4 : i32
    %get3A_580 = arith.index_cast %get3A_579 : i32 to index
    %get3A_581 = arith.constant 48 : index
    %get3A_582 = tpu.vector_load %arg6[%get3A_580, %get3A_581] {strides = array<i32>} : memref<8x128xf32, #tpu.memory_space<vmem>>, vector<1x16xf32>,
    %get3A_583 = vector.shape_cast %get3A_582 : vector<1x16xf32> to vector<16xf32>
    %sub3A_584 = arith.subf %get3A_578, %get3A_583 : vector<16xf32>
    %mul3A_585 = arith.mulf %sub3A_584, %sub3A_584 : vector<16xf32>
    %add3A_586 = arith.addf %add3A_575, %mul3A_585 : vector<16xf32>
    %get3A_587 = arith.constant 64 : index
    %get3A_588 = tpu.vector_load %arg5[%get3A_587] {strides = array<i32>} : memref<128xf32, #tpu.memory_space<vmem>>, vector<16xf32>,
    %get3A_589 = vector.shape_cast %get3A_588 : vector<16xf32> to vector<16xf32>
    %get3A_590 = arith.constant 4 : i32
    %get3A_591 = arith.index_cast %get3A_590 : i32 to index
    %get3A_592 = arith.constant 64 : index
    %get3A_593 = tpu.vector_load %arg6[%get3A_591, %get3A_592] {strides = array<i32>} : memref<8x128xf32, #tpu.memory_space<vmem>>, vector<1x16xf32>,
    %get3A_594 = vector.shape_cast %get3A_593 : vector<1x16xf32> to vector<16xf32>
    %sub3A_595 = arith.subf %get3A_589, %get3A_594 : vector<16xf32>
    %mul3A_596 = arith.mulf %sub3A_595, %sub3A_595 : vector<16xf32>
    %add3A_597 = arith.addf %add3A_586, %mul3A_596 : vector<16xf32>
    %get3A_598 = arith.constant 80 : index
    %get3A_599 = tpu.vector_load %arg5[%get3A_598] {strides = array<i32>} : memref<128xf32, #tpu.memory_space<vmem>>, vector<16xf32>,
    %get3A_600 = vector.shape_cast %get3A_599 : vector<16xf32> to vector<16xf32>
    %get3A_601 = arith.constant 4 : i32
    %get3A_602 = arith.index_cast %get3A_601 : i32 to index
    %get3A_603 = arith.constant 80 : index
    %get3A_604 = tpu.vector_load %arg6[%get3A_602, %get3A_603] {strides = array<i32>} : memref<8x128xf32, #tpu.memory_space<vmem>>, vector<1x16xf32>,
    %get3A_605 = vector.shape_cast %get3A_604 : vector<1x16xf32> to vector<16xf32>
    %sub3A_606 = arith.subf %get3A_600, %get3A_605 : vector<16xf32>
    %mul3A_607 = arith.mulf %sub3A_606, %sub3A_606 : vector<16xf32>
    %add3A_608 = arith.addf %add3A_597, %mul3A_607 : vector<16xf32>
    %get3A_609 = arith.constant 96 : index
    %get3A_610 = tpu.vector_load %arg5[%get3A_609] {strides = array<i32>} : memref<128xf32, #tpu.memory_space<vmem>>, vector<16xf32>,
    %get3A_611 = vector.shape_cast %get3A_610 : vector<16xf32> to vector<16xf32>
    %get3A_612 = arith.constant 4 : i32
    %get3A_613 = arith.index_cast %get3A_612 : i32 to index
    %get3A_614 = arith.constant 96 : index
    %get3A_615 = tpu.vector_load %arg6[%get3A_613, %get3A_614] {strides = array<i32>} : memref<8x128xf32, #tpu.memory_space<vmem>>, vector<1x16xf32>,
    %get3A_616 = vector.shape_cast %get3A_615 : vector<1x16xf32> to vector<16xf32>
    %sub3A_617 = arith.subf %get3A_611, %get3A_616 : vector<16xf32>
    %mul3A_618 = arith.mulf %sub3A_617, %sub3A_617 : vector<16xf32>
    %add3A_619 = arith.addf %add3A_608, %mul3A_618 : vector<16xf32>
    %get3A_620 = arith.constant 112 : index
    %get3A_621 = tpu.vector_load %arg5[%get3A_620] {strides = array<i32>} : memref<128xf32, #tpu.memory_space<vmem>>, vector<16xf32>,
    %get3A_622 = vector.shape_cast %get3A_621 : vector<16xf32> to vector<16xf32>
    %get3A_623 = arith.constant 4 : i32
    %get3A_624 = arith.index_cast %get3A_623 : i32 to index
    %get3A_625 = arith.constant 112 : index
    %get3A_626 = tpu.vector_load %arg6[%get3A_624, %get3A_625] {strides = array<i32>} : memref<8x128xf32, #tpu.memory_space<vmem>>, vector<1x16xf32>,
    %get3A_627 = vector.shape_cast %get3A_626 : vector<1x16xf32> to vector<16xf32>
    %sub3A_628 = arith.subf %get3A_622, %get3A_627 : vector<16xf32>
    %mul3A_629 = arith.mulf %sub3A_628, %sub3A_628 : vector<16xf32>
    %add3A_630 = arith.addf %add3A_619, %mul3A_629 : vector<16xf32>
    %iota3A_631 = tpu.iota {dimensions = array<i32: 0>} : vector<16xi32>
    %add3A_632 = arith.constant 1 : i32
    %add3A_633 = vector.broadcast %add3A_632 : i32 to vector<16xi32>
    %add3A_634 = arith.addi %iota3A_631, %add3A_633 : vector<16xi32>
    %and3A_635 = arith.constant 15 : i32
    %and3A_636 = vector.broadcast %and3A_635 : i32 to vector<16xi32>
    %and3A_637 = arith.andi %add3A_634, %and3A_636 : vector<16xi32>
    %broadcast_in_dim3A_638 = vector.shape_cast %and3A_637 : vector<16xi32> to vector<16x1xi32>
    %gather3A_639 = vector.shape_cast %broadcast_in_dim3A_638 : vector<16x1xi32> to vector<16xi32>
    %gather3A_640 = tpu.dynamic_gather %add3A_630[%gather3A_639] in [0] : vector<16xf32>, vector<16xi32> -> vector<16xf32>
    %add3A_641 = arith.addf %add3A_630, %gather3A_640 : vector<16xf32>
    %add3A_642 = arith.constant 2 : i32
    %add3A_643 = vector.broadcast %add3A_642 : i32 to vector<16xi32>
    %add3A_644 = arith.addi %iota3A_631, %add3A_643 : vector<16xi32>
    %and3A_645 = arith.constant 15 : i32
    %and3A_646 = vector.broadcast %and3A_645 : i32 to vector<16xi32>
    %and3A_647 = arith.andi %add3A_644, %and3A_646 : vector<16xi32>
    %broadcast_in_dim3A_648 = vector.shape_cast %and3A_647 : vector<16xi32> to vector<16x1xi32>
    %gather3A_649 = vector.shape_cast %broadcast_in_dim3A_648 : vector<16x1xi32> to vector<16xi32>
    %gather3A_650 = tpu.dynamic_gather %add3A_641[%gather3A_649] in [0] : vector<16xf32>, vector<16xi32> -> vector<16xf32>
    %add3A_651 = arith.addf %add3A_641, %gather3A_650 : vector<16xf32>
    %add3A_652 = arith.constant 4 : i32
    %add3A_653 = vector.broadcast %add3A_652 : i32 to vector<16xi32>
    %add3A_654 = arith.addi %iota3A_631, %add3A_653 : vector<16xi32>
    %and3A_655 = arith.constant 15 : i32
    %and3A_656 = vector.broadcast %and3A_655 : i32 to vector<16xi32>
    %and3A_657 = arith.andi %add3A_654, %and3A_656 : vector<16xi32>
    %broadcast_in_dim3A_658 = vector.shape_cast %and3A_657 : vector<16xi32> to vector<16x1xi32>
    %gather3A_659 = vector.shape_cast %broadcast_in_dim3A_658 : vector<16x1xi32> to vector<16xi32>
    %gather3A_660 = tpu.dynamic_gather %add3A_651[%gather3A_659] in [0] : vector<16xf32>, vector<16xi32> -> vector<16xf32>
    %add3A_661 = arith.addf %add3A_651, %gather3A_660 : vector<16xf32>
    %add3A_662 = arith.constant 8 : i32
    %add3A_663 = vector.broadcast %add3A_662 : i32 to vector<16xi32>
    %add3A_664 = arith.addi %iota3A_631, %add3A_663 : vector<16xi32>
    %and3A_665 = arith.constant 15 : i32
    %and3A_666 = vector.broadcast %and3A_665 : i32 to vector<16xi32>
    %and3A_667 = arith.andi %add3A_664, %and3A_666 : vector<16xi32>
    %broadcast_in_dim3A_668 = vector.shape_cast %and3A_667 : vector<16xi32> to vector<16x1xi32>
    %gather3A_669 = vector.shape_cast %broadcast_in_dim3A_668 : vector<16x1xi32> to vector<16xi32>
    %gather3A_670 = tpu.dynamic_gather %add3A_661[%gather3A_669] in [0] : vector<16xf32>, vector<16xi32> -> vector<16xf32>
    %add3A_671 = arith.addf %add3A_661, %gather3A_670 : vector<16xf32>
    %lt3A_672 = arith.cmpf olt, %add3A_671, %select_n3A_537 : vector<16xf32>
    %select_n3A_673 = arith.select %lt3A_672, %add3A_671, %select_n3A_537 : vector<16xi1>, vector<16xf32>
    %broadcast_in_dim3A_674 = arith.constant 4 : i32
    %broadcast_in_dim3A_675 = vector.broadcast %broadcast_in_dim3A_674 : i32 to vector<16xi32>
    %select_n3A_676 = arith.select %lt3A_672, %broadcast_in_dim3A_675, %select_n3A_540 : vector<16xi1>, vector<16xi32>
    %broadcast_in_dim3A_677 = arith.constant 0.000000e+00 : f32
    %broadcast_in_dim3A_678 = vector.broadcast %broadcast_in_dim3A_677 : f32 to vector<16xf32>
    %get3A_679 = arith.constant 0 : index
    %get3A_680 = tpu.vector_load %arg5[%get3A_679] {strides = array<i32>} : memref<128xf32, #tpu.memory_space<vmem>>, vector<16xf32>,
    %get3A_681 = vector.shape_cast %get3A_680 : vector<16xf32> to vector<16xf32>
    %get3A_682 = arith.constant 5 : i32
    %get3A_683 = arith.index_cast %get3A_682 : i32 to index
    %get3A_684 = arith.constant 0 : index
    %get3A_685 = tpu.vector_load %arg6[%get3A_683, %get3A_684] {strides = array<i32>} : memref<8x128xf32, #tpu.memory_space<vmem>>, vector<1x16xf32>,
    %get3A_686 = vector.shape_cast %get3A_685 : vector<1x16xf32> to vector<16xf32>
    %sub3A_687 = arith.subf %get3A_681, %get3A_686 : vector<16xf32>
    %mul3A_688 = arith.mulf %sub3A_687, %sub3A_687 : vector<16xf32>
    %add3A_689 = arith.addf %broadcast_in_dim3A_678, %mul3A_688 : vector<16xf32>
    %get3A_690 = arith.constant 16 : index
    %get3A_691 = tpu.vector_load %arg5[%get3A_690] {strides = array<i32>} : memref<128xf32, #tpu.memory_space<vmem>>, vector<16xf32>,
    %get3A_692 = vector.shape_cast %get3A_691 : vector<16xf32> to vector<16xf32>
    %get3A_693 = arith.constant 5 : i32
    %get3A_694 = arith.index_cast %get3A_693 : i32 to index
    %get3A_695 = arith.constant 16 : index
    %get3A_696 = tpu.vector_load %arg6[%get3A_694, %get3A_695] {strides = array<i32>} : memref<8x128xf32, #tpu.memory_space<vmem>>, vector<1x16xf32>,
    %get3A_697 = vector.shape_cast %get3A_696 : vector<1x16xf32> to vector<16xf32>
    %sub3A_698 = arith.subf %get3A_692, %get3A_697 : vector<16xf32>
    %mul3A_699 = arith.mulf %sub3A_698, %sub3A_698 : vector<16xf32>
    %add3A_700 = arith.addf %add3A_689, %mul3A_699 : vector<16xf32>
    %get3A_701 = arith.constant 32 : index
    %get3A_702 = tpu.vector_load %arg5[%get3A_701] {strides = array<i32>} : memref<128xf32, #tpu.memory_space<vmem>>, vector<16xf32>,
    %get3A_703 = vector.shape_cast %get3A_702 : vector<16xf32> to vector<16xf32>
    %get3A_704 = arith.constant 5 : i32
    %get3A_705 = arith.index_cast %get3A_704 : i32 to index
    %get3A_706 = arith.constant 32 : index
    %get3A_707 = tpu.vector_load %arg6[%get3A_705, %get3A_706] {strides = array<i32>} : memref<8x128xf32, #tpu.memory_space<vmem>>, vector<1x16xf32>,
    %get3A_708 = vector.shape_cast %get3A_707 : vector<1x16xf32> to vector<16xf32>
    %sub3A_709 = arith.subf %get3A_703, %get3A_708 : vector<16xf32>
    %mul3A_710 = arith.mulf %sub3A_709, %sub3A_709 : vector<16xf32>
    %add3A_711 = arith.addf %add3A_700, %mul3A_710 : vector<16xf32>
    %get3A_712 = arith.constant 48 : index
    %get3A_713 = tpu.vector_load %arg5[%get3A_712] {strides = array<i32>} : memref<128xf32, #tpu.memory_space<vmem>>, vector<16xf32>,
    %get3A_714 = vector.shape_cast %get3A_713 : vector<16xf32> to vector<16xf32>
    %get3A_715 = arith.constant 5 : i32
    %get3A_716 = arith.index_cast %get3A_715 : i32 to index
    %get3A_717 = arith.constant 48 : index
    %get3A_718 = tpu.vector_load %arg6[%get3A_716, %get3A_717] {strides = array<i32>} : memref<8x128xf32, #tpu.memory_space<vmem>>, vector<1x16xf32>,
    %get3A_719 = vector.shape_cast %get3A_718 : vector<1x16xf32> to vector<16xf32>
    %sub3A_720 = arith.subf %get3A_714, %get3A_719 : vector<16xf32>
    %mul3A_721 = arith.mulf %sub3A_720, %sub3A_720 : vector<16xf32>
    %add3A_722 = arith.addf %add3A_711, %mul3A_721 : vector<16xf32>
    %get3A_723 = arith.constant 64 : index
    %get3A_724 = tpu.vector_load %arg5[%get3A_723] {strides = array<i32>} : memref<128xf32, #tpu.memory_space<vmem>>, vector<16xf32>,
    %get3A_725 = vector.shape_cast %get3A_724 : vector<16xf32> to vector<16xf32>
    %get3A_726 = arith.constant 5 : i32
    %get3A_727 = arith.index_cast %get3A_726 : i32 to index
    %get3A_728 = arith.constant 64 : index
    %get3A_729 = tpu.vector_load %arg6[%get3A_727, %get3A_728] {strides = array<i32>} : memref<8x128xf32, #tpu.memory_space<vmem>>, vector<1x16xf32>,
    %get3A_730 = vector.shape_cast %get3A_729 : vector<1x16xf32> to vector<16xf32>
    %sub3A_731 = arith.subf %get3A_725, %get3A_730 : vector<16xf32>
    %mul3A_732 = arith.mulf %sub3A_731, %sub3A_731 : vector<16xf32>
    %add3A_733 = arith.addf %add3A_722, %mul3A_732 : vector<16xf32>
    %get3A_734 = arith.constant 80 : index
    %get3A_735 = tpu.vector_load %arg5[%get3A_734] {strides = array<i32>} : memref<128xf32, #tpu.memory_space<vmem>>, vector<16xf32>,
    %get3A_736 = vector.shape_cast %get3A_735 : vector<16xf32> to vector<16xf32>
    %get3A_737 = arith.constant 5 : i32
    %get3A_738 = arith.index_cast %get3A_737 : i32 to index
    %get3A_739 = arith.constant 80 : index
    %get3A_740 = tpu.vector_load %arg6[%get3A_738, %get3A_739] {strides = array<i32>} : memref<8x128xf32, #tpu.memory_space<vmem>>, vector<1x16xf32>,
    %get3A_741 = vector.shape_cast %get3A_740 : vector<1x16xf32> to vector<16xf32>
    %sub3A_742 = arith.subf %get3A_736, %get3A_741 : vector<16xf32>
    %mul3A_743 = arith.mulf %sub3A_742, %sub3A_742 : vector<16xf32>
    %add3A_744 = arith.addf %add3A_733, %mul3A_743 : vector<16xf32>
    %get3A_745 = arith.constant 96 : index
    %get3A_746 = tpu.vector_load %arg5[%get3A_745] {strides = array<i32>} : memref<128xf32, #tpu.memory_space<vmem>>, vector<16xf32>,
    %get3A_747 = vector.shape_cast %get3A_746 : vector<16xf32> to vector<16xf32>
    %get3A_748 = arith.constant 5 : i32
    %get3A_749 = arith.index_cast %get3A_748 : i32 to index
    %get3A_750 = arith.constant 96 : index
    %get3A_751 = tpu.vector_load %arg6[%get3A_749, %get3A_750] {strides = array<i32>} : memref<8x128xf32, #tpu.memory_space<vmem>>, vector<1x16xf32>,
    %get3A_752 = vector.shape_cast %get3A_751 : vector<1x16xf32> to vector<16xf32>
    %sub3A_753 = arith.subf %get3A_747, %get3A_752 : vector<16xf32>
    %mul3A_754 = arith.mulf %sub3A_753, %sub3A_753 : vector<16xf32>
    %add3A_755 = arith.addf %add3A_744, %mul3A_754 : vector<16xf32>
    %get3A_756 = arith.constant 112 : index
    %get3A_757 = tpu.vector_load %arg5[%get3A_756] {strides = array<i32>} : memref<128xf32, #tpu.memory_space<vmem>>, vector<16xf32>,
    %get3A_758 = vector.shape_cast %get3A_757 : vector<16xf32> to vector<16xf32>
    %get3A_759 = arith.constant 5 : i32
    %get3A_760 = arith.index_cast %get3A_759 : i32 to index
    %get3A_761 = arith.constant 112 : index
    %get3A_762 = tpu.vector_load %arg6[%get3A_760, %get3A_761] {strides = array<i32>} : memref<8x128xf32, #tpu.memory_space<vmem>>, vector<1x16xf32>,
    %get3A_763 = vector.shape_cast %get3A_762 : vector<1x16xf32> to vector<16xf32>
    %sub3A_764 = arith.subf %get3A_758, %get3A_763 : vector<16xf32>
    %mul3A_765 = arith.mulf %sub3A_764, %sub3A_764 : vector<16xf32>
    %add3A_766 = arith.addf %add3A_755, %mul3A_765 : vector<16xf32>
    %iota3A_767 = tpu.iota {dimensions = array<i32: 0>} : vector<16xi32>
    %add3A_768 = arith.constant 1 : i32
    %add3A_769 = vector.broadcast %add3A_768 : i32 to vector<16xi32>
    %add3A_770 = arith.addi %iota3A_767, %add3A_769 : vector<16xi32>
    %and3A_771 = arith.constant 15 : i32
    %and3A_772 = vector.broadcast %and3A_771 : i32 to vector<16xi32>
    %and3A_773 = arith.andi %add3A_770, %and3A_772 : vector<16xi32>
    %broadcast_in_dim3A_774 = vector.shape_cast %and3A_773 : vector<16xi32> to vector<16x1xi32>
    %gather3A_775 = vector.shape_cast %broadcast_in_dim3A_774 : vector<16x1xi32> to vector<16xi32>
    %gather3A_776 = tpu.dynamic_gather %add3A_766[%gather3A_775] in [0] : vector<16xf32>, vector<16xi32> -> vector<16xf32>
    %add3A_777 = arith.addf %add3A_766, %gather3A_776 : vector<16xf32>
    %add3A_778 = arith.constant 2 : i32
    %add3A_779 = vector.broadcast %add3A_778 : i32 to vector<16xi32>
    %add3A_780 = arith.addi %iota3A_767, %add3A_779 : vector<16xi32>
    %and3A_781 = arith.constant 15 : i32
    %and3A_782 = vector.broadcast %and3A_781 : i32 to vector<16xi32>
    %and3A_783 = arith.andi %add3A_780, %and3A_782 : vector<16xi32>
    %broadcast_in_dim3A_784 = vector.shape_cast %and3A_783 : vector<16xi32> to vector<16x1xi32>
    %gather3A_785 = vector.shape_cast %broadcast_in_dim3A_784 : vector<16x1xi32> to vector<16xi32>
    %gather3A_786 = tpu.dynamic_gather %add3A_777[%gather3A_785] in [0] : vector<16xf32>, vector<16xi32> -> vector<16xf32>
    %add3A_787 = arith.addf %add3A_777, %gather3A_786 : vector<16xf32>
    %add3A_788 = arith.constant 4 : i32
    %add3A_789 = vector.broadcast %add3A_788 : i32 to vector<16xi32>
    %add3A_790 = arith.addi %iota3A_767, %add3A_789 : vector<16xi32>
    %and3A_791 = arith.constant 15 : i32
    %and3A_792 = vector.broadcast %and3A_791 : i32 to vector<16xi32>
    %and3A_793 = arith.andi %add3A_790, %and3A_792 : vector<16xi32>
    %broadcast_in_dim3A_794 = vector.shape_cast %and3A_793 : vector<16xi32> to vector<16x1xi32>
    %gather3A_795 = vector.shape_cast %broadcast_in_dim3A_794 : vector<16x1xi32> to vector<16xi32>
    %gather3A_796 = tpu.dynamic_gather %add3A_787[%gather3A_795] in [0] : vector<16xf32>, vector<16xi32> -> vector<16xf32>
    %add3A_797 = arith.addf %add3A_787, %gather3A_796 : vector<16xf32>
    %add3A_798 = arith.constant 8 : i32
    %add3A_799 = vector.broadcast %add3A_798 : i32 to vector<16xi32>
    %add3A_800 = arith.addi %iota3A_767, %add3A_799 : vector<16xi32>
    %and3A_801 = arith.constant 15 : i32
    %and3A_802 = vector.broadcast %and3A_801 : i32 to vector<16xi32>
    %and3A_803 = arith.andi %add3A_800, %and3A_802 : vector<16xi32>
    %broadcast_in_dim3A_804 = vector.shape_cast %and3A_803 : vector<16xi32> to vector<16x1xi32>
    %gather3A_805 = vector.shape_cast %broadcast_in_dim3A_804 : vector<16x1xi32> to vector<16xi32>
    %gather3A_806 = tpu.dynamic_gather %add3A_797[%gather3A_805] in [0] : vector<16xf32>, vector<16xi32> -> vector<16xf32>
    %add3A_807 = arith.addf %add3A_797, %gather3A_806 : vector<16xf32>
    %lt3A_808 = arith.cmpf olt, %add3A_807, %select_n3A_673 : vector<16xf32>
    %select_n3A_809 = arith.select %lt3A_808, %add3A_807, %select_n3A_673 : vector<16xi1>, vector<16xf32>
    %broadcast_in_dim3A_810 = arith.constant 5 : i32
    %broadcast_in_dim3A_811 = vector.broadcast %broadcast_in_dim3A_810 : i32 to vector<16xi32>
    %select_n3A_812 = arith.select %lt3A_808, %broadcast_in_dim3A_811, %select_n3A_676 : vector<16xi1>, vector<16xi32>
    %broadcast_in_dim3A_813 = arith.constant 0.000000e+00 : f32
    %broadcast_in_dim3A_814 = vector.broadcast %broadcast_in_dim3A_813 : f32 to vector<16xf32>
    %get3A_815 = arith.constant 0 : index
    %get3A_816 = tpu.vector_load %arg5[%get3A_815] {strides = array<i32>} : memref<128xf32, #tpu.memory_space<vmem>>, vector<16xf32>,
    %get3A_817 = vector.shape_cast %get3A_816 : vector<16xf32> to vector<16xf32>
    %get3A_818 = arith.constant 6 : i32
    %get3A_819 = arith.index_cast %get3A_818 : i32 to index
    %get3A_820 = arith.constant 0 : index
    %get3A_821 = tpu.vector_load %arg6[%get3A_819, %get3A_820] {strides = array<i32>} : memref<8x128xf32, #tpu.memory_space<vmem>>, vector<1x16xf32>,
    %get3A_822 = vector.shape_cast %get3A_821 : vector<1x16xf32> to vector<16xf32>
    %sub3A_823 = arith.subf %get3A_817, %get3A_822 : vector<16xf32>
    %mul3A_824 = arith.mulf %sub3A_823, %sub3A_823 : vector<16xf32>
    %add3A_825 = arith.addf %broadcast_in_dim3A_814, %mul3A_824 : vector<16xf32>
    %get3A_826 = arith.constant 16 : index
    %get3A_827 = tpu.vector_load %arg5[%get3A_826] {strides = array<i32>} : memref<128xf32, #tpu.memory_space<vmem>>, vector<16xf32>,
    %get3A_828 = vector.shape_cast %get3A_827 : vector<16xf32> to vector<16xf32>
    %get3A_829 = arith.constant 6 : i32
    %get3A_830 = arith.index_cast %get3A_829 : i32 to index
    %get3A_831 = arith.constant 16 : index
    %get3A_832 = tpu.vector_load %arg6[%get3A_830, %get3A_831] {strides = array<i32>} : memref<8x128xf32, #tpu.memory_space<vmem>>, vector<1x16xf32>,
    %get3A_833 = vector.shape_cast %get3A_832 : vector<1x16xf32> to vector<16xf32>
    %sub3A_834 = arith.subf %get3A_828, %get3A_833 : vector<16xf32>
    %mul3A_835 = arith.mulf %sub3A_834, %sub3A_834 : vector<16xf32>
    %add3A_836 = arith.addf %add3A_825, %mul3A_835 : vector<16xf32>
    %get3A_837 = arith.constant 32 : index
    %get3A_838 = tpu.vector_load %arg5[%get3A_837] {strides = array<i32>} : memref<128xf32, #tpu.memory_space<vmem>>, vector<16xf32>,
    %get3A_839 = vector.shape_cast %get3A_838 : vector<16xf32> to vector<16xf32>
    %get3A_840 = arith.constant 6 : i32
    %get3A_841 = arith.index_cast %get3A_840 : i32 to index
    %get3A_842 = arith.constant 32 : index
    %get3A_843 = tpu.vector_load %arg6[%get3A_841, %get3A_842] {strides = array<i32>} : memref<8x128xf32, #tpu.memory_space<vmem>>, vector<1x16xf32>,
    %get3A_844 = vector.shape_cast %get3A_843 : vector<1x16xf32> to vector<16xf32>
    %sub3A_845 = arith.subf %get3A_839, %get3A_844 : vector<16xf32>
    %mul3A_846 = arith.mulf %sub3A_845, %sub3A_845 : vector<16xf32>
    %add3A_847 = arith.addf %add3A_836, %mul3A_846 : vector<16xf32>
    %get3A_848 = arith.constant 48 : index
    %get3A_849 = tpu.vector_load %arg5[%get3A_848] {strides = array<i32>} : memref<128xf32, #tpu.memory_space<vmem>>, vector<16xf32>,
    %get3A_850 = vector.shape_cast %get3A_849 : vector<16xf32> to vector<16xf32>
    %get3A_851 = arith.constant 6 : i32
    %get3A_852 = arith.index_cast %get3A_851 : i32 to index
    %get3A_853 = arith.constant 48 : index
    %get3A_854 = tpu.vector_load %arg6[%get3A_852, %get3A_853] {strides = array<i32>} : memref<8x128xf32, #tpu.memory_space<vmem>>, vector<1x16xf32>,
    %get3A_855 = vector.shape_cast %get3A_854 : vector<1x16xf32> to vector<16xf32>
    %sub3A_856 = arith.subf %get3A_850, %get3A_855 : vector<16xf32>
    %mul3A_857 = arith.mulf %sub3A_856, %sub3A_856 : vector<16xf32>
    %add3A_858 = arith.addf %add3A_847, %mul3A_857 : vector<16xf32>
    %get3A_859 = arith.constant 64 : index
    %get3A_860 = tpu.vector_load %arg5[%get3A_859] {strides = array<i32>} : memref<128xf32, #tpu.memory_space<vmem>>, vector<16xf32>,
    %get3A_861 = vector.shape_cast %get3A_860 : vector<16xf32> to vector<16xf32>
    %get3A_862 = arith.constant 6 : i32
    %get3A_863 = arith.index_cast %get3A_862 : i32 to index
    %get3A_864 = arith.constant 64 : index
    %get3A_865 = tpu.vector_load %arg6[%get3A_863, %get3A_864] {strides = array<i32>} : memref<8x128xf32, #tpu.memory_space<vmem>>, vector<1x16xf32>,
    %get3A_866 = vector.shape_cast %get3A_865 : vector<1x16xf32> to vector<16xf32>
    %sub3A_867 = arith.subf %get3A_861, %get3A_866 : vector<16xf32>
    %mul3A_868 = arith.mulf %sub3A_867, %sub3A_867 : vector<16xf32>
    %add3A_869 = arith.addf %add3A_858, %mul3A_868 : vector<16xf32>
    %get3A_870 = arith.constant 80 : index
    %get3A_871 = tpu.vector_load %arg5[%get3A_870] {strides = array<i32>} : memref<128xf32, #tpu.memory_space<vmem>>, vector<16xf32>,
    %get3A_872 = vector.shape_cast %get3A_871 : vector<16xf32> to vector<16xf32>
    %get3A_873 = arith.constant 6 : i32
    %get3A_874 = arith.index_cast %get3A_873 : i32 to index
    %get3A_875 = arith.constant 80 : index
    %get3A_876 = tpu.vector_load %arg6[%get3A_874, %get3A_875] {strides = array<i32>} : memref<8x128xf32, #tpu.memory_space<vmem>>, vector<1x16xf32>,
    %get3A_877 = vector.shape_cast %get3A_876 : vector<1x16xf32> to vector<16xf32>
    %sub3A_878 = arith.subf %get3A_872, %get3A_877 : vector<16xf32>
    %mul3A_879 = arith.mulf %sub3A_878, %sub3A_878 : vector<16xf32>
    %add3A_880 = arith.addf %add3A_869, %mul3A_879 : vector<16xf32>
    %get3A_881 = arith.constant 96 : index
    %get3A_882 = tpu.vector_load %arg5[%get3A_881] {strides = array<i32>} : memref<128xf32, #tpu.memory_space<vmem>>, vector<16xf32>,
    %get3A_883 = vector.shape_cast %get3A_882 : vector<16xf32> to vector<16xf32>
    %get3A_884 = arith.constant 6 : i32
    %get3A_885 = arith.index_cast %get3A_884 : i32 to index
    %get3A_886 = arith.constant 96 : index
    %get3A_887 = tpu.vector_load %arg6[%get3A_885, %get3A_886] {strides = array<i32>} : memref<8x128xf32, #tpu.memory_space<vmem>>, vector<1x16xf32>,
    %get3A_888 = vector.shape_cast %get3A_887 : vector<1x16xf32> to vector<16xf32>
    %sub3A_889 = arith.subf %get3A_883, %get3A_888 : vector<16xf32>
    %mul3A_890 = arith.mulf %sub3A_889, %sub3A_889 : vector<16xf32>
    %add3A_891 = arith.addf %add3A_880, %mul3A_890 : vector<16xf32>
    %get3A_892 = arith.constant 112 : index
    %get3A_893 = tpu.vector_load %arg5[%get3A_892] {strides = array<i32>} : memref<128xf32, #tpu.memory_space<vmem>>, vector<16xf32>,
    %get3A_894 = vector.shape_cast %get3A_893 : vector<16xf32> to vector<16xf32>
    %get3A_895 = arith.constant 6 : i32
    %get3A_896 = arith.index_cast %get3A_895 : i32 to index
    %get3A_897 = arith.constant 112 : index
    %get3A_898 = tpu.vector_load %arg6[%get3A_896, %get3A_897] {strides = array<i32>} : memref<8x128xf32, #tpu.memory_space<vmem>>, vector<1x16xf32>,
    %get3A_899 = vector.shape_cast %get3A_898 : vector<1x16xf32> to vector<16xf32>
    %sub3A_900 = arith.subf %get3A_894, %get3A_899 : vector<16xf32>
    %mul3A_901 = arith.mulf %sub3A_900, %sub3A_900 : vector<16xf32>
    %add3A_902 = arith.addf %add3A_891, %mul3A_901 : vector<16xf32>
    %iota3A_903 = tpu.iota {dimensions = array<i32: 0>} : vector<16xi32>
    %add3A_904 = arith.constant 1 : i32
    %add3A_905 = vector.broadcast %add3A_904 : i32 to vector<16xi32>
    %add3A_906 = arith.addi %iota3A_903, %add3A_905 : vector<16xi32>
    %and3A_907 = arith.constant 15 : i32
    %and3A_908 = vector.broadcast %and3A_907 : i32 to vector<16xi32>
    %and3A_909 = arith.andi %add3A_906, %and3A_908 : vector<16xi32>
    %broadcast_in_dim3A_910 = vector.shape_cast %and3A_909 : vector<16xi32> to vector<16x1xi32>
    %gather3A_911 = vector.shape_cast %broadcast_in_dim3A_910 : vector<16x1xi32> to vector<16xi32>
    %gather3A_912 = tpu.dynamic_gather %add3A_902[%gather3A_911] in [0] : vector<16xf32>, vector<16xi32> -> vector<16xf32>
    %add3A_913 = arith.addf %add3A_902, %gather3A_912 : vector<16xf32>
    %add3A_914 = arith.constant 2 : i32
    %add3A_915 = vector.broadcast %add3A_914 : i32 to vector<16xi32>
    %add3A_916 = arith.addi %iota3A_903, %add3A_915 : vector<16xi32>
    %and3A_917 = arith.constant 15 : i32
    %and3A_918 = vector.broadcast %and3A_917 : i32 to vector<16xi32>
    %and3A_919 = arith.andi %add3A_916, %and3A_918 : vector<16xi32>
    %broadcast_in_dim3A_920 = vector.shape_cast %and3A_919 : vector<16xi32> to vector<16x1xi32>
    %gather3A_921 = vector.shape_cast %broadcast_in_dim3A_920 : vector<16x1xi32> to vector<16xi32>
    %gather3A_922 = tpu.dynamic_gather %add3A_913[%gather3A_921] in [0] : vector<16xf32>, vector<16xi32> -> vector<16xf32>
    %add3A_923 = arith.addf %add3A_913, %gather3A_922 : vector<16xf32>
    %add3A_924 = arith.constant 4 : i32
    %add3A_925 = vector.broadcast %add3A_924 : i32 to vector<16xi32>
    %add3A_926 = arith.addi %iota3A_903, %add3A_925 : vector<16xi32>
    %and3A_927 = arith.constant 15 : i32
    %and3A_928 = vector.broadcast %and3A_927 : i32 to vector<16xi32>
    %and3A_929 = arith.andi %add3A_926, %and3A_928 : vector<16xi32>
    %broadcast_in_dim3A_930 = vector.shape_cast %and3A_929 : vector<16xi32> to vector<16x1xi32>
    %gather3A_931 = vector.shape_cast %broadcast_in_dim3A_930 : vector<16x1xi32> to vector<16xi32>
    %gather3A_932 = tpu.dynamic_gather %add3A_923[%gather3A_931] in [0] : vector<16xf32>, vector<16xi32> -> vector<16xf32>
    %add3A_933 = arith.addf %add3A_923, %gather3A_932 : vector<16xf32>
    %add3A_934 = arith.constant 8 : i32
    %add3A_935 = vector.broadcast %add3A_934 : i32 to vector<16xi32>
    %add3A_936 = arith.addi %iota3A_903, %add3A_935 : vector<16xi32>
    %and3A_937 = arith.constant 15 : i32
    %and3A_938 = vector.broadcast %and3A_937 : i32 to vector<16xi32>
    %and3A_939 = arith.andi %add3A_936, %and3A_938 : vector<16xi32>
    %broadcast_in_dim3A_940 = vector.shape_cast %and3A_939 : vector<16xi32> to vector<16x1xi32>
    %gather3A_941 = vector.shape_cast %broadcast_in_dim3A_940 : vector<16x1xi32> to vector<16xi32>
    %gather3A_942 = tpu.dynamic_gather %add3A_933[%gather3A_941] in [0] : vector<16xf32>, vector<16xi32> -> vector<16xf32>
    %add3A_943 = arith.addf %add3A_933, %gather3A_942 : vector<16xf32>
    %lt3A_944 = arith.cmpf olt, %add3A_943, %select_n3A_809 : vector<16xf32>
    %select_n3A_945 = arith.select %lt3A_944, %add3A_943, %select_n3A_809 : vector<16xi1>, vector<16xf32>
    %broadcast_in_dim3A_946 = arith.constant 6 : i32
    %broadcast_in_dim3A_947 = vector.broadcast %broadcast_in_dim3A_946 : i32 to vector<16xi32>
    %select_n3A_948 = arith.select %lt3A_944, %broadcast_in_dim3A_947, %select_n3A_812 : vector<16xi1>, vector<16xi32>
    %broadcast_in_dim3A_949 = arith.constant 0.000000e+00 : f32
    %broadcast_in_dim3A_950 = vector.broadcast %broadcast_in_dim3A_949 : f32 to vector<16xf32>
    %get3A_951 = arith.constant 0 : index
    %get3A_952 = tpu.vector_load %arg5[%get3A_951] {strides = array<i32>} : memref<128xf32, #tpu.memory_space<vmem>>, vector<16xf32>,
    %get3A_953 = vector.shape_cast %get3A_952 : vector<16xf32> to vector<16xf32>
    %get3A_954 = arith.constant 7 : i32
    %get3A_955 = arith.index_cast %get3A_954 : i32 to index
    %get3A_956 = arith.constant 0 : index
    %get3A_957 = tpu.vector_load %arg6[%get3A_955, %get3A_956] {strides = array<i32>} : memref<8x128xf32, #tpu.memory_space<vmem>>, vector<1x16xf32>,
    %get3A_958 = vector.shape_cast %get3A_957 : vector<1x16xf32> to vector<16xf32>
    %sub3A_959 = arith.subf %get3A_953, %get3A_958 : vector<16xf32>
    %mul3A_960 = arith.mulf %sub3A_959, %sub3A_959 : vector<16xf32>
    %add3A_961 = arith.addf %broadcast_in_dim3A_950, %mul3A_960 : vector<16xf32>
    %get3A_962 = arith.constant 16 : index
    %get3A_963 = tpu.vector_load %arg5[%get3A_962] {strides = array<i32>} : memref<128xf32, #tpu.memory_space<vmem>>, vector<16xf32>,
    %get3A_964 = vector.shape_cast %get3A_963 : vector<16xf32> to vector<16xf32>
    %get3A_965 = arith.constant 7 : i32
    %get3A_966 = arith.index_cast %get3A_965 : i32 to index
    %get3A_967 = arith.constant 16 : index
    %get3A_968 = tpu.vector_load %arg6[%get3A_966, %get3A_967] {strides = array<i32>} : memref<8x128xf32, #tpu.memory_space<vmem>>, vector<1x16xf32>,
    %get3A_969 = vector.shape_cast %get3A_968 : vector<1x16xf32> to vector<16xf32>
    %sub3A_970 = arith.subf %get3A_964, %get3A_969 : vector<16xf32>
    %mul3A_971 = arith.mulf %sub3A_970, %sub3A_970 : vector<16xf32>
    %add3A_972 = arith.addf %add3A_961, %mul3A_971 : vector<16xf32>
    %get3A_973 = arith.constant 32 : index
    %get3A_974 = tpu.vector_load %arg5[%get3A_973] {strides = array<i32>} : memref<128xf32, #tpu.memory_space<vmem>>, vector<16xf32>,
    %get3A_975 = vector.shape_cast %get3A_974 : vector<16xf32> to vector<16xf32>
    %get3A_976 = arith.constant 7 : i32
    %get3A_977 = arith.index_cast %get3A_976 : i32 to index
    %get3A_978 = arith.constant 32 : index
    %get3A_979 = tpu.vector_load %arg6[%get3A_977, %get3A_978] {strides = array<i32>} : memref<8x128xf32, #tpu.memory_space<vmem>>, vector<1x16xf32>,
    %get3A_980 = vector.shape_cast %get3A_979 : vector<1x16xf32> to vector<16xf32>
    %sub3A_981 = arith.subf %get3A_975, %get3A_980 : vector<16xf32>
    %mul3A_982 = arith.mulf %sub3A_981, %sub3A_981 : vector<16xf32>
    %add3A_983 = arith.addf %add3A_972, %mul3A_982 : vector<16xf32>
    %get3A_984 = arith.constant 48 : index
    %get3A_985 = tpu.vector_load %arg5[%get3A_984] {strides = array<i32>} : memref<128xf32, #tpu.memory_space<vmem>>, vector<16xf32>,
    %get3A_986 = vector.shape_cast %get3A_985 : vector<16xf32> to vector<16xf32>
    %get3A_987 = arith.constant 7 : i32
    %get3A_988 = arith.index_cast %get3A_987 : i32 to index
    %get3A_989 = arith.constant 48 : index
    %get3A_990 = tpu.vector_load %arg6[%get3A_988, %get3A_989] {strides = array<i32>} : memref<8x128xf32, #tpu.memory_space<vmem>>, vector<1x16xf32>,
    %get3A_991 = vector.shape_cast %get3A_990 : vector<1x16xf32> to vector<16xf32>
    %sub3A_992 = arith.subf %get3A_986, %get3A_991 : vector<16xf32>
    %mul3A_993 = arith.mulf %sub3A_992, %sub3A_992 : vector<16xf32>
    %add3A_994 = arith.addf %add3A_983, %mul3A_993 : vector<16xf32>
    %get3A_995 = arith.constant 64 : index
    %get3A_996 = tpu.vector_load %arg5[%get3A_995] {strides = array<i32>} : memref<128xf32, #tpu.memory_space<vmem>>, vector<16xf32>,
    %get3A_997 = vector.shape_cast %get3A_996 : vector<16xf32> to vector<16xf32>
    %get3A_998 = arith.constant 7 : i32
    %get3A_999 = arith.index_cast %get3A_998 : i32 to index
    %get3A_1000 = arith.constant 64 : index
    %get3A_1001 = tpu.vector_load %arg6[%get3A_999, %get3A_1000] {strides = array<i32>} : memref<8x128xf32, #tpu.memory_space<vmem>>, vector<1x16xf32>,
    %get3A_1002 = vector.shape_cast %get3A_1001 : vector<1x16xf32> to vector<16xf32>
    %sub3A_1003 = arith.subf %get3A_997, %get3A_1002 : vector<16xf32>
    %mul3A_1004 = arith.mulf %sub3A_1003, %sub3A_1003 : vector<16xf32>
    %add3A_1005 = arith.addf %add3A_994, %mul3A_1004 : vector<16xf32>
    %get3A_1006 = arith.constant 80 : index
    %get3A_1007 = tpu.vector_load %arg5[%get3A_1006] {strides = array<i32>} : memref<128xf32, #tpu.memory_space<vmem>>, vector<16xf32>,
    %get3A_1008 = vector.shape_cast %get3A_1007 : vector<16xf32> to vector<16xf32>
    %get3A_1009 = arith.constant 7 : i32
    %get3A_1010 = arith.index_cast %get3A_1009 : i32 to index
    %get3A_1011 = arith.constant 80 : index
    %get3A_1012 = tpu.vector_load %arg6[%get3A_1010, %get3A_1011] {strides = array<i32>} : memref<8x128xf32, #tpu.memory_space<vmem>>, vector<1x16xf32>,
    %get3A_1013 = vector.shape_cast %get3A_1012 : vector<1x16xf32> to vector<16xf32>
    %sub3A_1014 = arith.subf %get3A_1008, %get3A_1013 : vector<16xf32>
    %mul3A_1015 = arith.mulf %sub3A_1014, %sub3A_1014 : vector<16xf32>
    %add3A_1016 = arith.addf %add3A_1005, %mul3A_1015 : vector<16xf32>
    %get3A_1017 = arith.constant 96 : index
    %get3A_1018 = tpu.vector_load %arg5[%get3A_1017] {strides = array<i32>} : memref<128xf32, #tpu.memory_space<vmem>>, vector<16xf32>,
    %get3A_1019 = vector.shape_cast %get3A_1018 : vector<16xf32> to vector<16xf32>
    %get3A_1020 = arith.constant 7 : i32
    %get3A_1021 = arith.index_cast %get3A_1020 : i32 to index
    %get3A_1022 = arith.constant 96 : index
    %get3A_1023 = tpu.vector_load %arg6[%get3A_1021, %get3A_1022] {strides = array<i32>} : memref<8x128xf32, #tpu.memory_space<vmem>>, vector<1x16xf32>,
    %get3A_1024 = vector.shape_cast %get3A_1023 : vector<1x16xf32> to vector<16xf32>
    %sub3A_1025 = arith.subf %get3A_1019, %get3A_1024 : vector<16xf32>
    %mul3A_1026 = arith.mulf %sub3A_1025, %sub3A_1025 : vector<16xf32>
    %add3A_1027 = arith.addf %add3A_1016, %mul3A_1026 : vector<16xf32>
    %get3A_1028 = arith.constant 112 : index
    %get3A_1029 = tpu.vector_load %arg5[%get3A_1028] {strides = array<i32>} : memref<128xf32, #tpu.memory_space<vmem>>, vector<16xf32>,
    %get3A_1030 = vector.shape_cast %get3A_1029 : vector<16xf32> to vector<16xf32>
    %get3A_1031 = arith.constant 7 : i32
    %get3A_1032 = arith.index_cast %get3A_1031 : i32 to index
    %get3A_1033 = arith.constant 112 : index
    %get3A_1034 = tpu.vector_load %arg6[%get3A_1032, %get3A_1033] {strides = array<i32>} : memref<8x128xf32, #tpu.memory_space<vmem>>, vector<1x16xf32>,
    %get3A_1035 = vector.shape_cast %get3A_1034 : vector<1x16xf32> to vector<16xf32>
    %sub3A_1036 = arith.subf %get3A_1030, %get3A_1035 : vector<16xf32>
    %mul3A_1037 = arith.mulf %sub3A_1036, %sub3A_1036 : vector<16xf32>
    %add3A_1038 = arith.addf %add3A_1027, %mul3A_1037 : vector<16xf32>
    %iota3A_1039 = tpu.iota {dimensions = array<i32: 0>} : vector<16xi32>
    %add3A_1040 = arith.constant 1 : i32
    %add3A_1041 = vector.broadcast %add3A_1040 : i32 to vector<16xi32>
    %add3A_1042 = arith.addi %iota3A_1039, %add3A_1041 : vector<16xi32>
    %and3A_1043 = arith.constant 15 : i32
    %and3A_1044 = vector.broadcast %and3A_1043 : i32 to vector<16xi32>
    %and3A_1045 = arith.andi %add3A_1042, %and3A_1044 : vector<16xi32>
    %broadcast_in_dim3A_1046 = vector.shape_cast %and3A_1045 : vector<16xi32> to vector<16x1xi32>
    %gather3A_1047 = vector.shape_cast %broadcast_in_dim3A_1046 : vector<16x1xi32> to vector<16xi32>
    %gather3A_1048 = tpu.dynamic_gather %add3A_1038[%gather3A_1047] in [0] : vector<16xf32>, vector<16xi32> -> vector<16xf32>
    %add3A_1049 = arith.addf %add3A_1038, %gather3A_1048 : vector<16xf32>
    %add3A_1050 = arith.constant 2 : i32
    %add3A_1051 = vector.broadcast %add3A_1050 : i32 to vector<16xi32>
    %add3A_1052 = arith.addi %iota3A_1039, %add3A_1051 : vector<16xi32>
    %and3A_1053 = arith.constant 15 : i32
    %and3A_1054 = vector.broadcast %and3A_1053 : i32 to vector<16xi32>
    %and3A_1055 = arith.andi %add3A_1052, %and3A_1054 : vector<16xi32>
    %broadcast_in_dim3A_1056 = vector.shape_cast %and3A_1055 : vector<16xi32> to vector<16x1xi32>
    %gather3A_1057 = vector.shape_cast %broadcast_in_dim3A_1056 : vector<16x1xi32> to vector<16xi32>
    %gather3A_1058 = tpu.dynamic_gather %add3A_1049[%gather3A_1057] in [0] : vector<16xf32>, vector<16xi32> -> vector<16xf32>
    %add3A_1059 = arith.addf %add3A_1049, %gather3A_1058 : vector<16xf32>
    %add3A_1060 = arith.constant 4 : i32
    %add3A_1061 = vector.broadcast %add3A_1060 : i32 to vector<16xi32>
    %add3A_1062 = arith.addi %iota3A_1039, %add3A_1061 : vector<16xi32>
    %and3A_1063 = arith.constant 15 : i32
    %and3A_1064 = vector.broadcast %and3A_1063 : i32 to vector<16xi32>
    %and3A_1065 = arith.andi %add3A_1062, %and3A_1064 : vector<16xi32>
    %broadcast_in_dim3A_1066 = vector.shape_cast %and3A_1065 : vector<16xi32> to vector<16x1xi32>
    %gather3A_1067 = vector.shape_cast %broadcast_in_dim3A_1066 : vector<16x1xi32> to vector<16xi32>
    %gather3A_1068 = tpu.dynamic_gather %add3A_1059[%gather3A_1067] in [0] : vector<16xf32>, vector<16xi32> -> vector<16xf32>
    %add3A_1069 = arith.addf %add3A_1059, %gather3A_1068 : vector<16xf32>
    %add3A_1070 = arith.constant 8 : i32
    %add3A_1071 = vector.broadcast %add3A_1070 : i32 to vector<16xi32>
    %add3A_1072 = arith.addi %iota3A_1039, %add3A_1071 : vector<16xi32>
    %and3A_1073 = arith.constant 15 : i32
    %and3A_1074 = vector.broadcast %and3A_1073 : i32 to vector<16xi32>
    %and3A_1075 = arith.andi %add3A_1072, %and3A_1074 : vector<16xi32>
    %broadcast_in_dim3A_1076 = vector.shape_cast %and3A_1075 : vector<16xi32> to vector<16x1xi32>
    %gather3A_1077 = vector.shape_cast %broadcast_in_dim3A_1076 : vector<16x1xi32> to vector<16xi32>
    %gather3A_1078 = tpu.dynamic_gather %add3A_1069[%gather3A_1077] in [0] : vector<16xf32>, vector<16xi32> -> vector<16xf32>
    %add3A_1079 = arith.addf %add3A_1069, %gather3A_1078 : vector<16xf32>
    %lt3A_1080 = arith.cmpf olt, %add3A_1079, %select_n3A_945 : vector<16xf32>
    %select_n3A_1081 = arith.select %lt3A_1080, %add3A_1079, %select_n3A_945 : vector<16xi1>, vector<16xf32>
    %broadcast_in_dim3A_1082 = arith.constant 7 : i32
    %broadcast_in_dim3A_1083 = vector.broadcast %broadcast_in_dim3A_1082 : i32 to vector<16xi32>
    %select_n3A_1084 = arith.select %lt3A_1080, %broadcast_in_dim3A_1083, %select_n3A_948 : vector<16xi1>, vector<16xi32>
    %swap3A = arith.constant 0 : index
    %swap3A_1085 = tpu.vector_load %arg7[%swap3A] {strides = array<i32>} : memref<16xi32, #tpu.memory_space<vmem>>, vector<16xi32>,
    %swap3A_1086 = vector.shape_cast %swap3A_1085 : vector<16xi32> to vector<16xi32>
    %swap3A_1087 = vector.shape_cast %select_n3A_1084 : vector<16xi32> to vector<16xi32>
    tpu.vector_store %arg7[%swap3A], %swap3A_1087 {strides = array<i32>} : memref<16xi32, #tpu.memory_space<vmem>>, vector<16xi32>,
    "tpu.region"() ({
      %run_scoped3A = tpu.sem_alloc : memref<!tpu.dma_semaphore, #tpu.memory_space<semaphore_mem>>
      %dma_start3A = arith.constant 0 : i32
      %dma_start3A_1088 = tpu.memref_slice %arg4[%add3A, %dma_start3A] : memref<32x16xi32, #tpu.memory_space<hbm>> -> memref<1x16xi32, #tpu.memory_space<hbm>>
      %dma_start3A_1089 = tpu.memref_squeeze %dma_start3A_1088 : memref<1x16xi32, #tpu.memory_space<hbm>> -> memref<16xi32, #tpu.memory_space<hbm>>
      %dma_start3A_1090 = arith.constant 0 : i32
      %dma_start3A_1091 = tpu.memref_slice %arg4[%add3A, %dma_start3A_1090] : memref<32x16xi32, #tpu.memory_space<hbm>> -> memref<1x16xi32, #tpu.memory_space<hbm>>
      %dma_start3A_1092 = tpu.memref_squeeze %dma_start3A_1091 : memref<1x16xi32, #tpu.memory_space<hbm>> -> memref<16xi32, #tpu.memory_space<hbm>>
      tpu.enqueue_dma source(%arg7 : memref<16xi32, #tpu.memory_space<vmem>>) target(%dma_start3A_1092 : memref<16xi32, #tpu.memory_space<hbm>>) target_semaphore(%run_scoped3A : memref<!tpu.dma_semaphore, #tpu.memory_space<semaphore_mem>>)
      %dma_wait3A = arith.constant 0 : i32
      %dma_wait3A_1093 = tpu.memref_slice %arg4[%add3A, %dma_wait3A] : memref<32x16xi32, #tpu.memory_space<hbm>> -> memref<1x16xi32, #tpu.memory_space<hbm>>
      %dma_wait3A_1094 = tpu.memref_squeeze %dma_wait3A_1093 : memref<1x16xi32, #tpu.memory_space<hbm>> -> memref<16xi32, #tpu.memory_space<hbm>>
      %dma_wait3A_1095 = arith.constant 0 : i32
      %dma_wait3A_1096 = tpu.memref_slice %arg4[%add3A, %dma_wait3A_1095] : memref<32x16xi32, #tpu.memory_space<hbm>> -> memref<1x16xi32, #tpu.memory_space<hbm>>
      %dma_wait3A_1097 = tpu.memref_squeeze %dma_wait3A_1096 : memref<1x16xi32, #tpu.memory_space<hbm>> -> memref<16xi32, #tpu.memory_space<hbm>>
      tpu.wait_dma2 semaphore(%run_scoped3A : memref<!tpu.dma_semaphore, #tpu.memory_space<semaphore_mem>>) src(%arg7 : memref<16xi32, #tpu.memory_space<vmem>>) dst(%dma_wait3A_1097 : memref<16xi32, #tpu.memory_space<hbm>>)
      tpu.yield
    }) : () -> ()
    return
  }
}

module attributes {stable_mosaic.version = 14 : i64} {
  func.func @_pool_kernel(%arg0: i32, %arg1: memref<8x128x3136xf32, #tpu.memory_space<vmem>>, %arg2: memref<256x128xf32, #tpu.memory_space<vmem>>, %arg3: memref<256x1xf32, #tpu.memory_space<vmem>>, %arg4: memref<8x128x2xf32, #tpu.memory_space<vmem>>, %arg5: memref<8x2x128xf32, #tpu.memory_space<vmem>>) attributes {dimension_semantics = [#tpu.dimension_semantics<arbitrary>], iteration_bounds = array<i64: 2>, scalar_prefetch = 0 : i64, scratch_operands = 0 : i64, tpu.core_type = #tpu.core_type<tc>, window_params = [{transform_indices = @transform_0, window_bounds = array<i64: 8, 128, 3136>}, {pipeline_mode = #tpu.pipeline_mode<synchronous>, transform_indices = @transform_1, window_bounds = array<i64: 256, 128>}, {pipeline_mode = #tpu.pipeline_mode<synchronous>, transform_indices = @transform_2, window_bounds = array<i64: 256, 1>}, {transform_indices = @transform_3, window_bounds = array<i64: 8, 128, 2>}, {transform_indices = @transform_4, window_bounds = array<i64: 8, 2, 128>}]} {
    %get3A = arith.constant 0 : index
    %get3A_0 = arith.constant 0 : index
    %get3A_1 = arith.constant 0 : index
    %get3A_2 = vector.load %arg1[%get3A, %get3A_0, %get3A_1] : memref<8x128x3136xf32, #tpu.memory_space<vmem>>, vector<1x128x3136xf32>
    %get3A_3 = vector.shape_cast %get3A_2 : vector<1x128x3136xf32> to vector<128x3136xf32>
    %reduce_sum3A = arith.constant dense<0.000000e+00> : vector<128xf32>
    %reduce_sum3A_4 = vector.multi_reduction <add>, %get3A_3, %reduce_sum3A [1] : vector<128x3136xf32> to vector<128xf32>
    %broadcast_in_dim3A = vector.shape_cast %reduce_sum3A_4 : vector<128xf32> to vector<128x1xf32>
    %mul3A = arith.constant 3.18877544E-4 : f32
    %mul3A_5 = vector.broadcast %mul3A : f32 to vector<128x1xf32>
    %mul3A_6 = arith.mulf %broadcast_in_dim3A, %mul3A_5 : vector<128x1xf32>
    %get3A_7 = arith.constant 1 : index
    %get3A_8 = arith.constant 0 : index
    %get3A_9 = arith.constant 0 : index
    %get3A_10 = vector.load %arg1[%get3A_7, %get3A_8, %get3A_9] : memref<8x128x3136xf32, #tpu.memory_space<vmem>>, vector<1x128x3136xf32>
    %get3A_11 = vector.shape_cast %get3A_10 : vector<1x128x3136xf32> to vector<128x3136xf32>
    %reduce_sum3A_12 = arith.constant dense<0.000000e+00> : vector<128xf32>
    %reduce_sum3A_13 = vector.multi_reduction <add>, %get3A_11, %reduce_sum3A_12 [1] : vector<128x3136xf32> to vector<128xf32>
    %broadcast_in_dim3A_14 = vector.shape_cast %reduce_sum3A_13 : vector<128xf32> to vector<128x1xf32>
    %mul3A_15 = arith.constant 3.18877544E-4 : f32
    %mul3A_16 = vector.broadcast %mul3A_15 : f32 to vector<128x1xf32>
    %mul3A_17 = arith.mulf %broadcast_in_dim3A_14, %mul3A_16 : vector<128x1xf32>
    %get3A_18 = arith.constant 2 : index
    %get3A_19 = arith.constant 0 : index
    %get3A_20 = arith.constant 0 : index
    %get3A_21 = vector.load %arg1[%get3A_18, %get3A_19, %get3A_20] : memref<8x128x3136xf32, #tpu.memory_space<vmem>>, vector<1x128x3136xf32>
    %get3A_22 = vector.shape_cast %get3A_21 : vector<1x128x3136xf32> to vector<128x3136xf32>
    %reduce_sum3A_23 = arith.constant dense<0.000000e+00> : vector<128xf32>
    %reduce_sum3A_24 = vector.multi_reduction <add>, %get3A_22, %reduce_sum3A_23 [1] : vector<128x3136xf32> to vector<128xf32>
    %broadcast_in_dim3A_25 = vector.shape_cast %reduce_sum3A_24 : vector<128xf32> to vector<128x1xf32>
    %mul3A_26 = arith.constant 3.18877544E-4 : f32
    %mul3A_27 = vector.broadcast %mul3A_26 : f32 to vector<128x1xf32>
    %mul3A_28 = arith.mulf %broadcast_in_dim3A_25, %mul3A_27 : vector<128x1xf32>
    %get3A_29 = arith.constant 3 : index
    %get3A_30 = arith.constant 0 : index
    %get3A_31 = arith.constant 0 : index
    %get3A_32 = vector.load %arg1[%get3A_29, %get3A_30, %get3A_31] : memref<8x128x3136xf32, #tpu.memory_space<vmem>>, vector<1x128x3136xf32>
    %get3A_33 = vector.shape_cast %get3A_32 : vector<1x128x3136xf32> to vector<128x3136xf32>
    %reduce_sum3A_34 = arith.constant dense<0.000000e+00> : vector<128xf32>
    %reduce_sum3A_35 = vector.multi_reduction <add>, %get3A_33, %reduce_sum3A_34 [1] : vector<128x3136xf32> to vector<128xf32>
    %broadcast_in_dim3A_36 = vector.shape_cast %reduce_sum3A_35 : vector<128xf32> to vector<128x1xf32>
    %mul3A_37 = arith.constant 3.18877544E-4 : f32
    %mul3A_38 = vector.broadcast %mul3A_37 : f32 to vector<128x1xf32>
    %mul3A_39 = arith.mulf %broadcast_in_dim3A_36, %mul3A_38 : vector<128x1xf32>
    %get3A_40 = arith.constant 4 : index
    %get3A_41 = arith.constant 0 : index
    %get3A_42 = arith.constant 0 : index
    %get3A_43 = vector.load %arg1[%get3A_40, %get3A_41, %get3A_42] : memref<8x128x3136xf32, #tpu.memory_space<vmem>>, vector<1x128x3136xf32>
    %get3A_44 = vector.shape_cast %get3A_43 : vector<1x128x3136xf32> to vector<128x3136xf32>
    %reduce_sum3A_45 = arith.constant dense<0.000000e+00> : vector<128xf32>
    %reduce_sum3A_46 = vector.multi_reduction <add>, %get3A_44, %reduce_sum3A_45 [1] : vector<128x3136xf32> to vector<128xf32>
    %broadcast_in_dim3A_47 = vector.shape_cast %reduce_sum3A_46 : vector<128xf32> to vector<128x1xf32>
    %mul3A_48 = arith.constant 3.18877544E-4 : f32
    %mul3A_49 = vector.broadcast %mul3A_48 : f32 to vector<128x1xf32>
    %mul3A_50 = arith.mulf %broadcast_in_dim3A_47, %mul3A_49 : vector<128x1xf32>
    %get3A_51 = arith.constant 5 : index
    %get3A_52 = arith.constant 0 : index
    %get3A_53 = arith.constant 0 : index
    %get3A_54 = vector.load %arg1[%get3A_51, %get3A_52, %get3A_53] : memref<8x128x3136xf32, #tpu.memory_space<vmem>>, vector<1x128x3136xf32>
    %get3A_55 = vector.shape_cast %get3A_54 : vector<1x128x3136xf32> to vector<128x3136xf32>
    %reduce_sum3A_56 = arith.constant dense<0.000000e+00> : vector<128xf32>
    %reduce_sum3A_57 = vector.multi_reduction <add>, %get3A_55, %reduce_sum3A_56 [1] : vector<128x3136xf32> to vector<128xf32>
    %broadcast_in_dim3A_58 = vector.shape_cast %reduce_sum3A_57 : vector<128xf32> to vector<128x1xf32>
    %mul3A_59 = arith.constant 3.18877544E-4 : f32
    %mul3A_60 = vector.broadcast %mul3A_59 : f32 to vector<128x1xf32>
    %mul3A_61 = arith.mulf %broadcast_in_dim3A_58, %mul3A_60 : vector<128x1xf32>
    %get3A_62 = arith.constant 6 : index
    %get3A_63 = arith.constant 0 : index
    %get3A_64 = arith.constant 0 : index
    %get3A_65 = vector.load %arg1[%get3A_62, %get3A_63, %get3A_64] : memref<8x128x3136xf32, #tpu.memory_space<vmem>>, vector<1x128x3136xf32>
    %get3A_66 = vector.shape_cast %get3A_65 : vector<1x128x3136xf32> to vector<128x3136xf32>
    %reduce_sum3A_67 = arith.constant dense<0.000000e+00> : vector<128xf32>
    %reduce_sum3A_68 = vector.multi_reduction <add>, %get3A_66, %reduce_sum3A_67 [1] : vector<128x3136xf32> to vector<128xf32>
    %broadcast_in_dim3A_69 = vector.shape_cast %reduce_sum3A_68 : vector<128xf32> to vector<128x1xf32>
    %mul3A_70 = arith.constant 3.18877544E-4 : f32
    %mul3A_71 = vector.broadcast %mul3A_70 : f32 to vector<128x1xf32>
    %mul3A_72 = arith.mulf %broadcast_in_dim3A_69, %mul3A_71 : vector<128x1xf32>
    %get3A_73 = arith.constant 7 : index
    %get3A_74 = arith.constant 0 : index
    %get3A_75 = arith.constant 0 : index
    %get3A_76 = vector.load %arg1[%get3A_73, %get3A_74, %get3A_75] : memref<8x128x3136xf32, #tpu.memory_space<vmem>>, vector<1x128x3136xf32>
    %get3A_77 = vector.shape_cast %get3A_76 : vector<1x128x3136xf32> to vector<128x3136xf32>
    %reduce_sum3A_78 = arith.constant dense<0.000000e+00> : vector<128xf32>
    %reduce_sum3A_79 = vector.multi_reduction <add>, %get3A_77, %reduce_sum3A_78 [1] : vector<128x3136xf32> to vector<128xf32>
    %broadcast_in_dim3A_80 = vector.shape_cast %reduce_sum3A_79 : vector<128xf32> to vector<128x1xf32>
    %mul3A_81 = arith.constant 3.18877544E-4 : f32
    %mul3A_82 = vector.broadcast %mul3A_81 : f32 to vector<128x1xf32>
    %mul3A_83 = arith.mulf %broadcast_in_dim3A_80, %mul3A_82 : vector<128x1xf32>
    %concatenate3A = tpu.concatenate %mul3A_6, %mul3A_17, %mul3A_28, %mul3A_39, %mul3A_50, %mul3A_61, %mul3A_72, %mul3A_83 in 1 : vector<128x1xf32>, vector<128x1xf32>, vector<128x1xf32>, vector<128x1xf32>, vector<128x1xf32>, vector<128x1xf32>, vector<128x1xf32>, vector<128x1xf32> -> vector<128x8xf32>
    %get3A_84 = arith.constant 0 : index
    %get3A_85 = arith.constant 0 : index
    %get3A_86 = vector.load %arg2[%get3A_84, %get3A_85] : memref<256x128xf32, #tpu.memory_space<vmem>>, vector<256x128xf32>
    %dot_general3A = arith.constant dense<0.000000e+00> : vector<256x8xf32>
    %dot_general3A_87 = tpu.matmul %get3A_86, %concatenate3A, %dot_general3A {dimension_numbers = #tpu.dot_dimension_numbers<[1], [0], [0], [1], [0, 0, 1, 1], [], []>, transpose_lhs_hint = false} : vector<256x128xf32>, vector<128x8xf32>, vector<256x8xf32> -> vector<256x8xf32>
    %get3A_88 = arith.constant 0 : index
    %get3A_89 = arith.constant 0 : index
    %get3A_90 = vector.load %arg3[%get3A_88, %get3A_89] : memref<256x1xf32, #tpu.memory_space<vmem>>, vector<256x1xf32>
    %add3A = vector.broadcast %get3A_90 : vector<256x1xf32> to vector<256x8xf32>
    %add3A_91 = arith.addf %dot_general3A_87, %add3A : vector<256x8xf32>
    %slice3A = vector.extract_strided_slice %add3A_91 {offsets = [0, 0], sizes = [128, 8], strides = [1, 1]} : vector<256x8xf32> to vector<128x8xf32>
    %transpose3A = tpu.transpose %slice3A, [1, 0] : vector<128x8xf32> -> vector<8x128xf32>
    %swap3A = arith.constant 0 : index
    %swap3A_92 = arith.constant 0 : index
    %swap3A_93 = arith.constant 0 : index
    %swap3A_94 = vector.load %arg5[%swap3A, %swap3A_92, %swap3A_93] : memref<8x2x128xf32, #tpu.memory_space<vmem>>, vector<8x1x128xf32>
    %swap3A_95 = vector.shape_cast %swap3A_94 : vector<8x1x128xf32> to vector<8x128xf32>
    %swap3A_96 = vector.shape_cast %transpose3A : vector<8x128xf32> to vector<8x1x128xf32>
    tpu.vector_store %arg5[%swap3A, %swap3A_92, %swap3A_93], %swap3A_96 {strides = array<i32>} : memref<8x2x128xf32, #tpu.memory_space<vmem>>, vector<8x1x128xf32>,
    %slice3A_97 = vector.extract_strided_slice %slice3A {offsets = [0, 0], sizes = [128, 1], strides = [1, 1]} : vector<128x8xf32> to vector<128x1xf32>
    %swap3A_98 = arith.constant 0 : index
    %swap3A_99 = arith.constant 0 : index
    %swap3A_100 = arith.constant 0 : index
    %swap3A_101 = vector.load %arg4[%swap3A_98, %swap3A_99, %swap3A_100] : memref<8x128x2xf32, #tpu.memory_space<vmem>>, vector<1x128x1xf32>
    %swap3A_102 = vector.shape_cast %swap3A_101 : vector<1x128x1xf32> to vector<128x1xf32>
    %swap3A_103 = vector.shape_cast %slice3A_97 : vector<128x1xf32> to vector<1x128x1xf32>
    tpu.vector_store %arg4[%swap3A_98, %swap3A_99, %swap3A_100], %swap3A_103 {strides = array<i32>} : memref<8x128x2xf32, #tpu.memory_space<vmem>>, vector<1x128x1xf32>,
    %slice3A_104 = vector.extract_strided_slice %slice3A {offsets = [0, 1], sizes = [128, 1], strides = [1, 1]} : vector<128x8xf32> to vector<128x1xf32>
    %swap3A_105 = arith.constant 1 : index
    %swap3A_106 = arith.constant 0 : index
    %swap3A_107 = arith.constant 0 : index
    %swap3A_108 = vector.load %arg4[%swap3A_105, %swap3A_106, %swap3A_107] : memref<8x128x2xf32, #tpu.memory_space<vmem>>, vector<1x128x1xf32>
    %swap3A_109 = vector.shape_cast %swap3A_108 : vector<1x128x1xf32> to vector<128x1xf32>
    %swap3A_110 = vector.shape_cast %slice3A_104 : vector<128x1xf32> to vector<1x128x1xf32>
    tpu.vector_store %arg4[%swap3A_105, %swap3A_106, %swap3A_107], %swap3A_110 {strides = array<i32>} : memref<8x128x2xf32, #tpu.memory_space<vmem>>, vector<1x128x1xf32>,
    %slice3A_111 = vector.extract_strided_slice %slice3A {offsets = [0, 2], sizes = [128, 1], strides = [1, 1]} : vector<128x8xf32> to vector<128x1xf32>
    %swap3A_112 = arith.constant 2 : index
    %swap3A_113 = arith.constant 0 : index
    %swap3A_114 = arith.constant 0 : index
    %swap3A_115 = vector.load %arg4[%swap3A_112, %swap3A_113, %swap3A_114] : memref<8x128x2xf32, #tpu.memory_space<vmem>>, vector<1x128x1xf32>
    %swap3A_116 = vector.shape_cast %swap3A_115 : vector<1x128x1xf32> to vector<128x1xf32>
    %swap3A_117 = vector.shape_cast %slice3A_111 : vector<128x1xf32> to vector<1x128x1xf32>
    tpu.vector_store %arg4[%swap3A_112, %swap3A_113, %swap3A_114], %swap3A_117 {strides = array<i32>} : memref<8x128x2xf32, #tpu.memory_space<vmem>>, vector<1x128x1xf32>,
    %slice3A_118 = vector.extract_strided_slice %slice3A {offsets = [0, 3], sizes = [128, 1], strides = [1, 1]} : vector<128x8xf32> to vector<128x1xf32>
    %swap3A_119 = arith.constant 3 : index
    %swap3A_120 = arith.constant 0 : index
    %swap3A_121 = arith.constant 0 : index
    %swap3A_122 = vector.load %arg4[%swap3A_119, %swap3A_120, %swap3A_121] : memref<8x128x2xf32, #tpu.memory_space<vmem>>, vector<1x128x1xf32>
    %swap3A_123 = vector.shape_cast %swap3A_122 : vector<1x128x1xf32> to vector<128x1xf32>
    %swap3A_124 = vector.shape_cast %slice3A_118 : vector<128x1xf32> to vector<1x128x1xf32>
    tpu.vector_store %arg4[%swap3A_119, %swap3A_120, %swap3A_121], %swap3A_124 {strides = array<i32>} : memref<8x128x2xf32, #tpu.memory_space<vmem>>, vector<1x128x1xf32>,
    %slice3A_125 = vector.extract_strided_slice %slice3A {offsets = [0, 4], sizes = [128, 1], strides = [1, 1]} : vector<128x8xf32> to vector<128x1xf32>
    %swap3A_126 = arith.constant 4 : index
    %swap3A_127 = arith.constant 0 : index
    %swap3A_128 = arith.constant 0 : index
    %swap3A_129 = vector.load %arg4[%swap3A_126, %swap3A_127, %swap3A_128] : memref<8x128x2xf32, #tpu.memory_space<vmem>>, vector<1x128x1xf32>
    %swap3A_130 = vector.shape_cast %swap3A_129 : vector<1x128x1xf32> to vector<128x1xf32>
    %swap3A_131 = vector.shape_cast %slice3A_125 : vector<128x1xf32> to vector<1x128x1xf32>
    tpu.vector_store %arg4[%swap3A_126, %swap3A_127, %swap3A_128], %swap3A_131 {strides = array<i32>} : memref<8x128x2xf32, #tpu.memory_space<vmem>>, vector<1x128x1xf32>,
    %slice3A_132 = vector.extract_strided_slice %slice3A {offsets = [0, 5], sizes = [128, 1], strides = [1, 1]} : vector<128x8xf32> to vector<128x1xf32>
    %swap3A_133 = arith.constant 5 : index
    %swap3A_134 = arith.constant 0 : index
    %swap3A_135 = arith.constant 0 : index
    %swap3A_136 = vector.load %arg4[%swap3A_133, %swap3A_134, %swap3A_135] : memref<8x128x2xf32, #tpu.memory_space<vmem>>, vector<1x128x1xf32>
    %swap3A_137 = vector.shape_cast %swap3A_136 : vector<1x128x1xf32> to vector<128x1xf32>
    %swap3A_138 = vector.shape_cast %slice3A_132 : vector<128x1xf32> to vector<1x128x1xf32>
    tpu.vector_store %arg4[%swap3A_133, %swap3A_134, %swap3A_135], %swap3A_138 {strides = array<i32>} : memref<8x128x2xf32, #tpu.memory_space<vmem>>, vector<1x128x1xf32>,
    %slice3A_139 = vector.extract_strided_slice %slice3A {offsets = [0, 6], sizes = [128, 1], strides = [1, 1]} : vector<128x8xf32> to vector<128x1xf32>
    %swap3A_140 = arith.constant 6 : index
    %swap3A_141 = arith.constant 0 : index
    %swap3A_142 = arith.constant 0 : index
    %swap3A_143 = vector.load %arg4[%swap3A_140, %swap3A_141, %swap3A_142] : memref<8x128x2xf32, #tpu.memory_space<vmem>>, vector<1x128x1xf32>
    %swap3A_144 = vector.shape_cast %swap3A_143 : vector<1x128x1xf32> to vector<128x1xf32>
    %swap3A_145 = vector.shape_cast %slice3A_139 : vector<128x1xf32> to vector<1x128x1xf32>
    tpu.vector_store %arg4[%swap3A_140, %swap3A_141, %swap3A_142], %swap3A_145 {strides = array<i32>} : memref<8x128x2xf32, #tpu.memory_space<vmem>>, vector<1x128x1xf32>,
    %slice3A_146 = vector.extract_strided_slice %slice3A {offsets = [0, 7], sizes = [128, 1], strides = [1, 1]} : vector<128x8xf32> to vector<128x1xf32>
    %swap3A_147 = arith.constant 7 : index
    %swap3A_148 = arith.constant 0 : index
    %swap3A_149 = arith.constant 0 : index
    %swap3A_150 = vector.load %arg4[%swap3A_147, %swap3A_148, %swap3A_149] : memref<8x128x2xf32, #tpu.memory_space<vmem>>, vector<1x128x1xf32>
    %swap3A_151 = vector.shape_cast %swap3A_150 : vector<1x128x1xf32> to vector<128x1xf32>
    %swap3A_152 = vector.shape_cast %slice3A_146 : vector<128x1xf32> to vector<1x128x1xf32>
    tpu.vector_store %arg4[%swap3A_147, %swap3A_148, %swap3A_149], %swap3A_152 {strides = array<i32>} : memref<8x128x2xf32, #tpu.memory_space<vmem>>, vector<1x128x1xf32>,
    %slice3A_153 = vector.extract_strided_slice %add3A_91 {offsets = [128, 0], sizes = [128, 8], strides = [1, 1]} : vector<256x8xf32> to vector<128x8xf32>
    %transpose3A_154 = tpu.transpose %slice3A_153, [1, 0] : vector<128x8xf32> -> vector<8x128xf32>
    %swap3A_155 = arith.constant 0 : index
    %swap3A_156 = arith.constant 1 : index
    %swap3A_157 = arith.constant 0 : index
    %swap3A_158 = vector.load %arg5[%swap3A_155, %swap3A_156, %swap3A_157] : memref<8x2x128xf32, #tpu.memory_space<vmem>>, vector<8x1x128xf32>
    %swap3A_159 = vector.shape_cast %swap3A_158 : vector<8x1x128xf32> to vector<8x128xf32>
    %swap3A_160 = vector.shape_cast %transpose3A_154 : vector<8x128xf32> to vector<8x1x128xf32>
    tpu.vector_store %arg5[%swap3A_155, %swap3A_156, %swap3A_157], %swap3A_160 {strides = array<i32>} : memref<8x2x128xf32, #tpu.memory_space<vmem>>, vector<8x1x128xf32>,
    %slice3A_161 = vector.extract_strided_slice %slice3A_153 {offsets = [0, 0], sizes = [128, 1], strides = [1, 1]} : vector<128x8xf32> to vector<128x1xf32>
    %swap3A_162 = arith.constant 0 : index
    %swap3A_163 = arith.constant 0 : index
    %swap3A_164 = arith.constant 1 : index
    %swap3A_165 = vector.load %arg4[%swap3A_162, %swap3A_163, %swap3A_164] : memref<8x128x2xf32, #tpu.memory_space<vmem>>, vector<1x128x1xf32>
    %swap3A_166 = vector.shape_cast %swap3A_165 : vector<1x128x1xf32> to vector<128x1xf32>
    %swap3A_167 = vector.shape_cast %slice3A_161 : vector<128x1xf32> to vector<1x128x1xf32>
    tpu.vector_store %arg4[%swap3A_162, %swap3A_163, %swap3A_164], %swap3A_167 {strides = array<i32>} : memref<8x128x2xf32, #tpu.memory_space<vmem>>, vector<1x128x1xf32>,
    %slice3A_168 = vector.extract_strided_slice %slice3A_153 {offsets = [0, 1], sizes = [128, 1], strides = [1, 1]} : vector<128x8xf32> to vector<128x1xf32>
    %swap3A_169 = arith.constant 1 : index
    %swap3A_170 = arith.constant 0 : index
    %swap3A_171 = arith.constant 1 : index
    %swap3A_172 = vector.load %arg4[%swap3A_169, %swap3A_170, %swap3A_171] : memref<8x128x2xf32, #tpu.memory_space<vmem>>, vector<1x128x1xf32>
    %swap3A_173 = vector.shape_cast %swap3A_172 : vector<1x128x1xf32> to vector<128x1xf32>
    %swap3A_174 = vector.shape_cast %slice3A_168 : vector<128x1xf32> to vector<1x128x1xf32>
    tpu.vector_store %arg4[%swap3A_169, %swap3A_170, %swap3A_171], %swap3A_174 {strides = array<i32>} : memref<8x128x2xf32, #tpu.memory_space<vmem>>, vector<1x128x1xf32>,
    %slice3A_175 = vector.extract_strided_slice %slice3A_153 {offsets = [0, 2], sizes = [128, 1], strides = [1, 1]} : vector<128x8xf32> to vector<128x1xf32>
    %swap3A_176 = arith.constant 2 : index
    %swap3A_177 = arith.constant 0 : index
    %swap3A_178 = arith.constant 1 : index
    %swap3A_179 = vector.load %arg4[%swap3A_176, %swap3A_177, %swap3A_178] : memref<8x128x2xf32, #tpu.memory_space<vmem>>, vector<1x128x1xf32>
    %swap3A_180 = vector.shape_cast %swap3A_179 : vector<1x128x1xf32> to vector<128x1xf32>
    %swap3A_181 = vector.shape_cast %slice3A_175 : vector<128x1xf32> to vector<1x128x1xf32>
    tpu.vector_store %arg4[%swap3A_176, %swap3A_177, %swap3A_178], %swap3A_181 {strides = array<i32>} : memref<8x128x2xf32, #tpu.memory_space<vmem>>, vector<1x128x1xf32>,
    %slice3A_182 = vector.extract_strided_slice %slice3A_153 {offsets = [0, 3], sizes = [128, 1], strides = [1, 1]} : vector<128x8xf32> to vector<128x1xf32>
    %swap3A_183 = arith.constant 3 : index
    %swap3A_184 = arith.constant 0 : index
    %swap3A_185 = arith.constant 1 : index
    %swap3A_186 = vector.load %arg4[%swap3A_183, %swap3A_184, %swap3A_185] : memref<8x128x2xf32, #tpu.memory_space<vmem>>, vector<1x128x1xf32>
    %swap3A_187 = vector.shape_cast %swap3A_186 : vector<1x128x1xf32> to vector<128x1xf32>
    %swap3A_188 = vector.shape_cast %slice3A_182 : vector<128x1xf32> to vector<1x128x1xf32>
    tpu.vector_store %arg4[%swap3A_183, %swap3A_184, %swap3A_185], %swap3A_188 {strides = array<i32>} : memref<8x128x2xf32, #tpu.memory_space<vmem>>, vector<1x128x1xf32>,
    %slice3A_189 = vector.extract_strided_slice %slice3A_153 {offsets = [0, 4], sizes = [128, 1], strides = [1, 1]} : vector<128x8xf32> to vector<128x1xf32>
    %swap3A_190 = arith.constant 4 : index
    %swap3A_191 = arith.constant 0 : index
    %swap3A_192 = arith.constant 1 : index
    %swap3A_193 = vector.load %arg4[%swap3A_190, %swap3A_191, %swap3A_192] : memref<8x128x2xf32, #tpu.memory_space<vmem>>, vector<1x128x1xf32>
    %swap3A_194 = vector.shape_cast %swap3A_193 : vector<1x128x1xf32> to vector<128x1xf32>
    %swap3A_195 = vector.shape_cast %slice3A_189 : vector<128x1xf32> to vector<1x128x1xf32>
    tpu.vector_store %arg4[%swap3A_190, %swap3A_191, %swap3A_192], %swap3A_195 {strides = array<i32>} : memref<8x128x2xf32, #tpu.memory_space<vmem>>, vector<1x128x1xf32>,
    %slice3A_196 = vector.extract_strided_slice %slice3A_153 {offsets = [0, 5], sizes = [128, 1], strides = [1, 1]} : vector<128x8xf32> to vector<128x1xf32>
    %swap3A_197 = arith.constant 5 : index
    %swap3A_198 = arith.constant 0 : index
    %swap3A_199 = arith.constant 1 : index
    %swap3A_200 = vector.load %arg4[%swap3A_197, %swap3A_198, %swap3A_199] : memref<8x128x2xf32, #tpu.memory_space<vmem>>, vector<1x128x1xf32>
    %swap3A_201 = vector.shape_cast %swap3A_200 : vector<1x128x1xf32> to vector<128x1xf32>
    %swap3A_202 = vector.shape_cast %slice3A_196 : vector<128x1xf32> to vector<1x128x1xf32>
    tpu.vector_store %arg4[%swap3A_197, %swap3A_198, %swap3A_199], %swap3A_202 {strides = array<i32>} : memref<8x128x2xf32, #tpu.memory_space<vmem>>, vector<1x128x1xf32>,
    %slice3A_203 = vector.extract_strided_slice %slice3A_153 {offsets = [0, 6], sizes = [128, 1], strides = [1, 1]} : vector<128x8xf32> to vector<128x1xf32>
    %swap3A_204 = arith.constant 6 : index
    %swap3A_205 = arith.constant 0 : index
    %swap3A_206 = arith.constant 1 : index
    %swap3A_207 = vector.load %arg4[%swap3A_204, %swap3A_205, %swap3A_206] : memref<8x128x2xf32, #tpu.memory_space<vmem>>, vector<1x128x1xf32>
    %swap3A_208 = vector.shape_cast %swap3A_207 : vector<1x128x1xf32> to vector<128x1xf32>
    %swap3A_209 = vector.shape_cast %slice3A_203 : vector<128x1xf32> to vector<1x128x1xf32>
    tpu.vector_store %arg4[%swap3A_204, %swap3A_205, %swap3A_206], %swap3A_209 {strides = array<i32>} : memref<8x128x2xf32, #tpu.memory_space<vmem>>, vector<1x128x1xf32>,
    %slice3A_210 = vector.extract_strided_slice %slice3A_153 {offsets = [0, 7], sizes = [128, 1], strides = [1, 1]} : vector<128x8xf32> to vector<128x1xf32>
    %swap3A_211 = arith.constant 7 : index
    %swap3A_212 = arith.constant 0 : index
    %swap3A_213 = arith.constant 1 : index
    %swap3A_214 = vector.load %arg4[%swap3A_211, %swap3A_212, %swap3A_213] : memref<8x128x2xf32, #tpu.memory_space<vmem>>, vector<1x128x1xf32>
    %swap3A_215 = vector.shape_cast %swap3A_214 : vector<1x128x1xf32> to vector<128x1xf32>
    %swap3A_216 = vector.shape_cast %slice3A_210 : vector<128x1xf32> to vector<1x128x1xf32>
    tpu.vector_store %arg4[%swap3A_211, %swap3A_212, %swap3A_213], %swap3A_216 {strides = array<i32>} : memref<8x128x2xf32, #tpu.memory_space<vmem>>, vector<1x128x1xf32>,
    return
  }
  func.func @transform_0(%arg0: i32) -> (i32, i32, i32) {
    %c0_i32 = arith.constant 0 : i32
    %c0_i32_0 = arith.constant 0 : i32
    %c0_i32_1 = arith.constant 0 : i32
    return %arg0, %c0_i32, %c0_i32_0 : i32, i32, i32
  }
  func.func @transform_1(%arg0: i32) -> (i32, i32) {
    %c0_i32 = arith.constant 0 : i32
    %c0_i32_0 = arith.constant 0 : i32
    %c0_i32_1 = arith.constant 0 : i32
    return %c0_i32, %c0_i32_0 : i32, i32
  }
  func.func @transform_2(%arg0: i32) -> (i32, i32) {
    %c0_i32 = arith.constant 0 : i32
    %c0_i32_0 = arith.constant 0 : i32
    %c0_i32_1 = arith.constant 0 : i32
    return %c0_i32, %c0_i32_0 : i32, i32
  }
  func.func @transform_3(%arg0: i32) -> (i32, i32, i32) {
    %c0_i32 = arith.constant 0 : i32
    %c0_i32_0 = arith.constant 0 : i32
    %c0_i32_1 = arith.constant 0 : i32
    return %arg0, %c0_i32, %c0_i32_0 : i32, i32, i32
  }
  func.func @transform_4(%arg0: i32) -> (i32, i32, i32) {
    %c0_i32 = arith.constant 0 : i32
    %c0_i32_0 = arith.constant 0 : i32
    %c0_i32_1 = arith.constant 0 : i32
    return %arg0, %c0_i32, %c0_i32_0 : i32, i32, i32
  }
}

module attributes {stable_mosaic.version = 14 : i64} {
  func.func @_apply_kernel(%arg0: i32, %arg1: memref<32xi32, #tpu.memory_space<smem>>, %arg2: memref<8x128x3136xf32, #tpu.memory_space<vmem>>, %arg3: memref<8x128x1xf32, #tpu.memory_space<vmem>>, %arg4: memref<8x128x128xf32, #tpu.memory_space<vmem>>, %arg5: memref<8x128x1xf32, #tpu.memory_space<vmem>>, %arg6: memref<8x128x3136xbf16, #tpu.memory_space<vmem>>, %arg7: memref<8x128x2xf32, #tpu.memory_space<vmem>>) attributes {dimension_semantics = [#tpu.dimension_semantics<arbitrary>], iteration_bounds = array<i64: 2>, scalar_prefetch = 0 : i64, scratch_operands = 0 : i64, tpu.core_type = #tpu.core_type<tc>, window_params = [{transform_indices = @transform_0, window_bounds = array<i64: 32>}, {transform_indices = @transform_1, window_bounds = array<i64: 8, 128, 3136>}, {pipeline_mode = #tpu.pipeline_mode<synchronous>, transform_indices = @transform_2, window_bounds = array<i64: 8, 128, 1>}, {pipeline_mode = #tpu.pipeline_mode<synchronous>, transform_indices = @transform_3, window_bounds = array<i64: 8, 128, 128>}, {pipeline_mode = #tpu.pipeline_mode<synchronous>, transform_indices = @transform_4, window_bounds = array<i64: 8, 128, 1>}, {transform_indices = @transform_5, window_bounds = array<i64: 8, 128, 3136>}, {transform_indices = @transform_6, window_bounds = array<i64: 8, 128, 2>}]} {
    %mul3A = arith.constant 8 : i32
    %mul3A_0 = arith.muli %arg0, %mul3A : i32
    %add3A = arith.constant 0 : i32
    %add3A_1 = arith.addi %mul3A_0, %add3A : i32
    %mul3A_2 = arith.constant 2 : i32
    %mul3A_3 = arith.muli %add3A_1, %mul3A_2 : i32
    %add3A_4 = arith.constant 0 : i32
    %add3A_5 = arith.addi %mul3A_3, %add3A_4 : i32
    %get3A = arith.index_cast %add3A_5 : i32 to index
    %get3A_6 = memref.load %arg1[%get3A] : memref<32xi32, #tpu.memory_space<smem>>
    %mul3A_7 = arith.constant 8 : i32
    %mul3A_8 = arith.muli %arg0, %mul3A_7 : i32
    %add3A_9 = arith.constant 0 : i32
    %add3A_10 = arith.addi %mul3A_8, %add3A_9 : i32
    %mul3A_11 = arith.constant 2 : i32
    %mul3A_12 = arith.muli %add3A_10, %mul3A_11 : i32
    %add3A_13 = arith.constant 1 : i32
    %add3A_14 = arith.addi %mul3A_12, %add3A_13 : i32
    %get3A_15 = arith.index_cast %add3A_14 : i32 to index
    %get3A_16 = memref.load %arg1[%get3A_15] : memref<32xi32, #tpu.memory_space<smem>>
    %get3A_17 = arith.index_cast %get3A_6 : i32 to index
    %get3A_18 = arith.constant 0 : index
    %get3A_19 = arith.constant 0 : index
    %get3A_20 = vector.load %arg3[%get3A_17, %get3A_18, %get3A_19] : memref<8x128x1xf32, #tpu.memory_space<vmem>>, vector<1x128x1xf32>
    %get3A_21 = vector.shape_cast %get3A_20 : vector<1x128x1xf32> to vector<128x1xf32>
    %swap3A = arith.constant 0 : index
    %swap3A_22 = arith.constant 0 : index
    %swap3A_23 = arith.constant 0 : index
    %swap3A_24 = vector.load %arg7[%swap3A, %swap3A_22, %swap3A_23] : memref<8x128x2xf32, #tpu.memory_space<vmem>>, vector<1x128x1xf32>
    %swap3A_25 = vector.shape_cast %swap3A_24 : vector<1x128x1xf32> to vector<128x1xf32>
    %swap3A_26 = vector.shape_cast %get3A_21 : vector<128x1xf32> to vector<1x128x1xf32>
    tpu.vector_store %arg7[%swap3A, %swap3A_22, %swap3A_23], %swap3A_26 {strides = array<i32>} : memref<8x128x2xf32, #tpu.memory_space<vmem>>, vector<1x128x1xf32>,
    %get3A_27 = arith.index_cast %get3A_16 : i32 to index
    %get3A_28 = arith.constant 0 : index
    %get3A_29 = arith.constant 0 : index
    %get3A_30 = vector.load %arg3[%get3A_27, %get3A_28, %get3A_29] : memref<8x128x1xf32, #tpu.memory_space<vmem>>, vector<1x128x1xf32>
    %get3A_31 = vector.shape_cast %get3A_30 : vector<1x128x1xf32> to vector<128x1xf32>
    %swap3A_32 = arith.constant 0 : index
    %swap3A_33 = arith.constant 0 : index
    %swap3A_34 = arith.constant 1 : index
    %swap3A_35 = vector.load %arg7[%swap3A_32, %swap3A_33, %swap3A_34] : memref<8x128x2xf32, #tpu.memory_space<vmem>>, vector<1x128x1xf32>
    %swap3A_36 = vector.shape_cast %swap3A_35 : vector<1x128x1xf32> to vector<128x1xf32>
    %swap3A_37 = vector.shape_cast %get3A_31 : vector<128x1xf32> to vector<1x128x1xf32>
    tpu.vector_store %arg7[%swap3A_32, %swap3A_33, %swap3A_34], %swap3A_37 {strides = array<i32>} : memref<8x128x2xf32, #tpu.memory_space<vmem>>, vector<1x128x1xf32>,
    %get3A_38 = arith.index_cast %get3A_6 : i32 to index
    %get3A_39 = arith.constant 0 : index
    %get3A_40 = arith.constant 0 : index
    %get3A_41 = vector.load %arg4[%get3A_38, %get3A_39, %get3A_40] : memref<8x128x128xf32, #tpu.memory_space<vmem>>, vector<1x128x128xf32>
    %get3A_42 = vector.shape_cast %get3A_41 : vector<1x128x128xf32> to vector<128x128xf32>
    %get3A_43 = arith.index_cast %get3A_16 : i32 to index
    %get3A_44 = arith.constant 0 : index
    %get3A_45 = arith.constant 0 : index
    %get3A_46 = vector.load %arg4[%get3A_43, %get3A_44, %get3A_45] : memref<8x128x128xf32, #tpu.memory_space<vmem>>, vector<1x128x128xf32>
    %get3A_47 = vector.shape_cast %get3A_46 : vector<1x128x128xf32> to vector<128x128xf32>
    %get3A_48 = arith.index_cast %get3A_6 : i32 to index
    %get3A_49 = arith.constant 0 : index
    %get3A_50 = arith.constant 0 : index
    %get3A_51 = vector.load %arg5[%get3A_48, %get3A_49, %get3A_50] : memref<8x128x1xf32, #tpu.memory_space<vmem>>, vector<1x128x1xf32>
    %get3A_52 = vector.shape_cast %get3A_51 : vector<1x128x1xf32> to vector<128x1xf32>
    %get3A_53 = arith.index_cast %get3A_16 : i32 to index
    %get3A_54 = arith.constant 0 : index
    %get3A_55 = arith.constant 0 : index
    %get3A_56 = vector.load %arg5[%get3A_53, %get3A_54, %get3A_55] : memref<8x128x1xf32, #tpu.memory_space<vmem>>, vector<1x128x1xf32>
    %get3A_57 = vector.shape_cast %get3A_56 : vector<1x128x1xf32> to vector<128x1xf32>
    %dot_general3A = arith.constant dense<0.000000e+00> : vector<128x128xf32>
    %dot_general3A_58 = tpu.matmul %get3A_47, %get3A_42, %dot_general3A {dimension_numbers = #tpu.dot_dimension_numbers<[1], [0], [0], [1], [0, 0, 1, 1], [], []>, transpose_lhs_hint = false} : vector<128x128xf32>, vector<128x128xf32>, vector<128x128xf32> -> vector<128x128xf32>
    %dot_general3A_59 = arith.constant dense<0.000000e+00> : vector<128x1xf32>
    %dot_general3A_60 = tpu.matmul %get3A_47, %get3A_52, %dot_general3A_59 {dimension_numbers = #tpu.dot_dimension_numbers<[1], [0], [0], [1], [0, 0, 1, 1], [], []>, transpose_lhs_hint = false} : vector<128x128xf32>, vector<128x1xf32>, vector<128x1xf32> -> vector<128x1xf32>
    %add3A_61 = arith.addf %dot_general3A_60, %get3A_57 : vector<128x1xf32>
    %convert_element_type3A = arith.truncf %dot_general3A_58 : vector<128x128xf32> to vector<128x128xbf16>
    %mul3A_62 = arith.constant 8 : i32
    %mul3A_63 = arith.muli %arg0, %mul3A_62 : i32
    %add3A_64 = arith.constant 1 : i32
    %add3A_65 = arith.addi %mul3A_63, %add3A_64 : i32
    %mul3A_66 = arith.constant 2 : i32
    %mul3A_67 = arith.muli %add3A_65, %mul3A_66 : i32
    %add3A_68 = arith.constant 0 : i32
    %add3A_69 = arith.addi %mul3A_67, %add3A_68 : i32
    %get3A_70 = arith.index_cast %add3A_69 : i32 to index
    %get3A_71 = memref.load %arg1[%get3A_70] : memref<32xi32, #tpu.memory_space<smem>>
    %mul3A_72 = arith.constant 8 : i32
    %mul3A_73 = arith.muli %arg0, %mul3A_72 : i32
    %add3A_74 = arith.constant 1 : i32
    %add3A_75 = arith.addi %mul3A_73, %add3A_74 : i32
    %mul3A_76 = arith.constant 2 : i32
    %mul3A_77 = arith.muli %add3A_75, %mul3A_76 : i32
    %add3A_78 = arith.constant 1 : i32
    %add3A_79 = arith.addi %mul3A_77, %add3A_78 : i32
    %get3A_80 = arith.index_cast %add3A_79 : i32 to index
    %get3A_81 = memref.load %arg1[%get3A_80] : memref<32xi32, #tpu.memory_space<smem>>
    %get3A_82 = arith.index_cast %get3A_71 : i32 to index
    %get3A_83 = arith.constant 0 : index
    %get3A_84 = arith.constant 0 : index
    %get3A_85 = vector.load %arg3[%get3A_82, %get3A_83, %get3A_84] : memref<8x128x1xf32, #tpu.memory_space<vmem>>, vector<1x128x1xf32>
    %get3A_86 = vector.shape_cast %get3A_85 : vector<1x128x1xf32> to vector<128x1xf32>
    %swap3A_87 = arith.constant 1 : index
    %swap3A_88 = arith.constant 0 : index
    %swap3A_89 = arith.constant 0 : index
    %swap3A_90 = vector.load %arg7[%swap3A_87, %swap3A_88, %swap3A_89] : memref<8x128x2xf32, #tpu.memory_space<vmem>>, vector<1x128x1xf32>
    %swap3A_91 = vector.shape_cast %swap3A_90 : vector<1x128x1xf32> to vector<128x1xf32>
    %swap3A_92 = vector.shape_cast %get3A_86 : vector<128x1xf32> to vector<1x128x1xf32>
    tpu.vector_store %arg7[%swap3A_87, %swap3A_88, %swap3A_89], %swap3A_92 {strides = array<i32>} : memref<8x128x2xf32, #tpu.memory_space<vmem>>, vector<1x128x1xf32>,
    %get3A_93 = arith.index_cast %get3A_81 : i32 to index
    %get3A_94 = arith.constant 0 : index
    %get3A_95 = arith.constant 0 : index
    %get3A_96 = vector.load %arg3[%get3A_93, %get3A_94, %get3A_95] : memref<8x128x1xf32, #tpu.memory_space<vmem>>, vector<1x128x1xf32>
    %get3A_97 = vector.shape_cast %get3A_96 : vector<1x128x1xf32> to vector<128x1xf32>
    %swap3A_98 = arith.constant 1 : index
    %swap3A_99 = arith.constant 0 : index
    %swap3A_100 = arith.constant 1 : index
    %swap3A_101 = vector.load %arg7[%swap3A_98, %swap3A_99, %swap3A_100] : memref<8x128x2xf32, #tpu.memory_space<vmem>>, vector<1x128x1xf32>
    %swap3A_102 = vector.shape_cast %swap3A_101 : vector<1x128x1xf32> to vector<128x1xf32>
    %swap3A_103 = vector.shape_cast %get3A_97 : vector<128x1xf32> to vector<1x128x1xf32>
    tpu.vector_store %arg7[%swap3A_98, %swap3A_99, %swap3A_100], %swap3A_103 {strides = array<i32>} : memref<8x128x2xf32, #tpu.memory_space<vmem>>, vector<1x128x1xf32>,
    %get3A_104 = arith.index_cast %get3A_71 : i32 to index
    %get3A_105 = arith.constant 0 : index
    %get3A_106 = arith.constant 0 : index
    %get3A_107 = vector.load %arg4[%get3A_104, %get3A_105, %get3A_106] : memref<8x128x128xf32, #tpu.memory_space<vmem>>, vector<1x128x128xf32>
    %get3A_108 = vector.shape_cast %get3A_107 : vector<1x128x128xf32> to vector<128x128xf32>
    %get3A_109 = arith.index_cast %get3A_81 : i32 to index
    %get3A_110 = arith.constant 0 : index
    %get3A_111 = arith.constant 0 : index
    %get3A_112 = vector.load %arg4[%get3A_109, %get3A_110, %get3A_111] : memref<8x128x128xf32, #tpu.memory_space<vmem>>, vector<1x128x128xf32>
    %get3A_113 = vector.shape_cast %get3A_112 : vector<1x128x128xf32> to vector<128x128xf32>
    %get3A_114 = arith.index_cast %get3A_71 : i32 to index
    %get3A_115 = arith.constant 0 : index
    %get3A_116 = arith.constant 0 : index
    %get3A_117 = vector.load %arg5[%get3A_114, %get3A_115, %get3A_116] : memref<8x128x1xf32, #tpu.memory_space<vmem>>, vector<1x128x1xf32>
    %get3A_118 = vector.shape_cast %get3A_117 : vector<1x128x1xf32> to vector<128x1xf32>
    %get3A_119 = arith.index_cast %get3A_81 : i32 to index
    %get3A_120 = arith.constant 0 : index
    %get3A_121 = arith.constant 0 : index
    %get3A_122 = vector.load %arg5[%get3A_119, %get3A_120, %get3A_121] : memref<8x128x1xf32, #tpu.memory_space<vmem>>, vector<1x128x1xf32>
    %get3A_123 = vector.shape_cast %get3A_122 : vector<1x128x1xf32> to vector<128x1xf32>
    %dot_general3A_124 = arith.constant dense<0.000000e+00> : vector<128x128xf32>
    %dot_general3A_125 = tpu.matmul %get3A_113, %get3A_108, %dot_general3A_124 {dimension_numbers = #tpu.dot_dimension_numbers<[1], [0], [0], [1], [0, 0, 1, 1], [], []>, transpose_lhs_hint = false} : vector<128x128xf32>, vector<128x128xf32>, vector<128x128xf32> -> vector<128x128xf32>
    %dot_general3A_126 = arith.constant dense<0.000000e+00> : vector<128x1xf32>
    %dot_general3A_127 = tpu.matmul %get3A_113, %get3A_118, %dot_general3A_126 {dimension_numbers = #tpu.dot_dimension_numbers<[1], [0], [0], [1], [0, 0, 1, 1], [], []>, transpose_lhs_hint = false} : vector<128x128xf32>, vector<128x1xf32>, vector<128x1xf32> -> vector<128x1xf32>
    %add3A_128 = arith.addf %dot_general3A_127, %get3A_123 : vector<128x1xf32>
    %convert_element_type3A_129 = arith.truncf %dot_general3A_125 : vector<128x128xf32> to vector<128x128xbf16>
    %mul3A_130 = arith.constant 8 : i32
    %mul3A_131 = arith.muli %arg0, %mul3A_130 : i32
    %add3A_132 = arith.constant 2 : i32
    %add3A_133 = arith.addi %mul3A_131, %add3A_132 : i32
    %mul3A_134 = arith.constant 2 : i32
    %mul3A_135 = arith.muli %add3A_133, %mul3A_134 : i32
    %add3A_136 = arith.constant 0 : i32
    %add3A_137 = arith.addi %mul3A_135, %add3A_136 : i32
    %get3A_138 = arith.index_cast %add3A_137 : i32 to index
    %get3A_139 = memref.load %arg1[%get3A_138] : memref<32xi32, #tpu.memory_space<smem>>
    %mul3A_140 = arith.constant 8 : i32
    %mul3A_141 = arith.muli %arg0, %mul3A_140 : i32
    %add3A_142 = arith.constant 2 : i32
    %add3A_143 = arith.addi %mul3A_141, %add3A_142 : i32
    %mul3A_144 = arith.constant 2 : i32
    %mul3A_145 = arith.muli %add3A_143, %mul3A_144 : i32
    %add3A_146 = arith.constant 1 : i32
    %add3A_147 = arith.addi %mul3A_145, %add3A_146 : i32
    %get3A_148 = arith.index_cast %add3A_147 : i32 to index
    %get3A_149 = memref.load %arg1[%get3A_148] : memref<32xi32, #tpu.memory_space<smem>>
    %get3A_150 = arith.index_cast %get3A_139 : i32 to index
    %get3A_151 = arith.constant 0 : index
    %get3A_152 = arith.constant 0 : index
    %get3A_153 = vector.load %arg3[%get3A_150, %get3A_151, %get3A_152] : memref<8x128x1xf32, #tpu.memory_space<vmem>>, vector<1x128x1xf32>
    %get3A_154 = vector.shape_cast %get3A_153 : vector<1x128x1xf32> to vector<128x1xf32>
    %swap3A_155 = arith.constant 2 : index
    %swap3A_156 = arith.constant 0 : index
    %swap3A_157 = arith.constant 0 : index
    %swap3A_158 = vector.load %arg7[%swap3A_155, %swap3A_156, %swap3A_157] : memref<8x128x2xf32, #tpu.memory_space<vmem>>, vector<1x128x1xf32>
    %swap3A_159 = vector.shape_cast %swap3A_158 : vector<1x128x1xf32> to vector<128x1xf32>
    %swap3A_160 = vector.shape_cast %get3A_154 : vector<128x1xf32> to vector<1x128x1xf32>
    tpu.vector_store %arg7[%swap3A_155, %swap3A_156, %swap3A_157], %swap3A_160 {strides = array<i32>} : memref<8x128x2xf32, #tpu.memory_space<vmem>>, vector<1x128x1xf32>,
    %get3A_161 = arith.index_cast %get3A_149 : i32 to index
    %get3A_162 = arith.constant 0 : index
    %get3A_163 = arith.constant 0 : index
    %get3A_164 = vector.load %arg3[%get3A_161, %get3A_162, %get3A_163] : memref<8x128x1xf32, #tpu.memory_space<vmem>>, vector<1x128x1xf32>
    %get3A_165 = vector.shape_cast %get3A_164 : vector<1x128x1xf32> to vector<128x1xf32>
    %swap3A_166 = arith.constant 2 : index
    %swap3A_167 = arith.constant 0 : index
    %swap3A_168 = arith.constant 1 : index
    %swap3A_169 = vector.load %arg7[%swap3A_166, %swap3A_167, %swap3A_168] : memref<8x128x2xf32, #tpu.memory_space<vmem>>, vector<1x128x1xf32>
    %swap3A_170 = vector.shape_cast %swap3A_169 : vector<1x128x1xf32> to vector<128x1xf32>
    %swap3A_171 = vector.shape_cast %get3A_165 : vector<128x1xf32> to vector<1x128x1xf32>
    tpu.vector_store %arg7[%swap3A_166, %swap3A_167, %swap3A_168], %swap3A_171 {strides = array<i32>} : memref<8x128x2xf32, #tpu.memory_space<vmem>>, vector<1x128x1xf32>,
    %get3A_172 = arith.index_cast %get3A_139 : i32 to index
    %get3A_173 = arith.constant 0 : index
    %get3A_174 = arith.constant 0 : index
    %get3A_175 = vector.load %arg4[%get3A_172, %get3A_173, %get3A_174] : memref<8x128x128xf32, #tpu.memory_space<vmem>>, vector<1x128x128xf32>
    %get3A_176 = vector.shape_cast %get3A_175 : vector<1x128x128xf32> to vector<128x128xf32>
    %get3A_177 = arith.index_cast %get3A_149 : i32 to index
    %get3A_178 = arith.constant 0 : index
    %get3A_179 = arith.constant 0 : index
    %get3A_180 = vector.load %arg4[%get3A_177, %get3A_178, %get3A_179] : memref<8x128x128xf32, #tpu.memory_space<vmem>>, vector<1x128x128xf32>
    %get3A_181 = vector.shape_cast %get3A_180 : vector<1x128x128xf32> to vector<128x128xf32>
    %get3A_182 = arith.index_cast %get3A_139 : i32 to index
    %get3A_183 = arith.constant 0 : index
    %get3A_184 = arith.constant 0 : index
    %get3A_185 = vector.load %arg5[%get3A_182, %get3A_183, %get3A_184] : memref<8x128x1xf32, #tpu.memory_space<vmem>>, vector<1x128x1xf32>
    %get3A_186 = vector.shape_cast %get3A_185 : vector<1x128x1xf32> to vector<128x1xf32>
    %get3A_187 = arith.index_cast %get3A_149 : i32 to index
    %get3A_188 = arith.constant 0 : index
    %get3A_189 = arith.constant 0 : index
    %get3A_190 = vector.load %arg5[%get3A_187, %get3A_188, %get3A_189] : memref<8x128x1xf32, #tpu.memory_space<vmem>>, vector<1x128x1xf32>
    %get3A_191 = vector.shape_cast %get3A_190 : vector<1x128x1xf32> to vector<128x1xf32>
    %dot_general3A_192 = arith.constant dense<0.000000e+00> : vector<128x128xf32>
    %dot_general3A_193 = tpu.matmul %get3A_181, %get3A_176, %dot_general3A_192 {dimension_numbers = #tpu.dot_dimension_numbers<[1], [0], [0], [1], [0, 0, 1, 1], [], []>, transpose_lhs_hint = false} : vector<128x128xf32>, vector<128x128xf32>, vector<128x128xf32> -> vector<128x128xf32>
    %dot_general3A_194 = arith.constant dense<0.000000e+00> : vector<128x1xf32>
    %dot_general3A_195 = tpu.matmul %get3A_181, %get3A_186, %dot_general3A_194 {dimension_numbers = #tpu.dot_dimension_numbers<[1], [0], [0], [1], [0, 0, 1, 1], [], []>, transpose_lhs_hint = false} : vector<128x128xf32>, vector<128x1xf32>, vector<128x1xf32> -> vector<128x1xf32>
    %add3A_196 = arith.addf %dot_general3A_195, %get3A_191 : vector<128x1xf32>
    %convert_element_type3A_197 = arith.truncf %dot_general3A_193 : vector<128x128xf32> to vector<128x128xbf16>
    %mul3A_198 = arith.constant 8 : i32
    %mul3A_199 = arith.muli %arg0, %mul3A_198 : i32
    %add3A_200 = arith.constant 3 : i32
    %add3A_201 = arith.addi %mul3A_199, %add3A_200 : i32
    %mul3A_202 = arith.constant 2 : i32
    %mul3A_203 = arith.muli %add3A_201, %mul3A_202 : i32
    %add3A_204 = arith.constant 0 : i32
    %add3A_205 = arith.addi %mul3A_203, %add3A_204 : i32
    %get3A_206 = arith.index_cast %add3A_205 : i32 to index
    %get3A_207 = memref.load %arg1[%get3A_206] : memref<32xi32, #tpu.memory_space<smem>>
    %mul3A_208 = arith.constant 8 : i32
    %mul3A_209 = arith.muli %arg0, %mul3A_208 : i32
    %add3A_210 = arith.constant 3 : i32
    %add3A_211 = arith.addi %mul3A_209, %add3A_210 : i32
    %mul3A_212 = arith.constant 2 : i32
    %mul3A_213 = arith.muli %add3A_211, %mul3A_212 : i32
    %add3A_214 = arith.constant 1 : i32
    %add3A_215 = arith.addi %mul3A_213, %add3A_214 : i32
    %get3A_216 = arith.index_cast %add3A_215 : i32 to index
    %get3A_217 = memref.load %arg1[%get3A_216] : memref<32xi32, #tpu.memory_space<smem>>
    %get3A_218 = arith.index_cast %get3A_207 : i32 to index
    %get3A_219 = arith.constant 0 : index
    %get3A_220 = arith.constant 0 : index
    %get3A_221 = vector.load %arg3[%get3A_218, %get3A_219, %get3A_220] : memref<8x128x1xf32, #tpu.memory_space<vmem>>, vector<1x128x1xf32>
    %get3A_222 = vector.shape_cast %get3A_221 : vector<1x128x1xf32> to vector<128x1xf32>
    %swap3A_223 = arith.constant 3 : index
    %swap3A_224 = arith.constant 0 : index
    %swap3A_225 = arith.constant 0 : index
    %swap3A_226 = vector.load %arg7[%swap3A_223, %swap3A_224, %swap3A_225] : memref<8x128x2xf32, #tpu.memory_space<vmem>>, vector<1x128x1xf32>
    %swap3A_227 = vector.shape_cast %swap3A_226 : vector<1x128x1xf32> to vector<128x1xf32>
    %swap3A_228 = vector.shape_cast %get3A_222 : vector<128x1xf32> to vector<1x128x1xf32>
    tpu.vector_store %arg7[%swap3A_223, %swap3A_224, %swap3A_225], %swap3A_228 {strides = array<i32>} : memref<8x128x2xf32, #tpu.memory_space<vmem>>, vector<1x128x1xf32>,
    %get3A_229 = arith.index_cast %get3A_217 : i32 to index
    %get3A_230 = arith.constant 0 : index
    %get3A_231 = arith.constant 0 : index
    %get3A_232 = vector.load %arg3[%get3A_229, %get3A_230, %get3A_231] : memref<8x128x1xf32, #tpu.memory_space<vmem>>, vector<1x128x1xf32>
    %get3A_233 = vector.shape_cast %get3A_232 : vector<1x128x1xf32> to vector<128x1xf32>
    %swap3A_234 = arith.constant 3 : index
    %swap3A_235 = arith.constant 0 : index
    %swap3A_236 = arith.constant 1 : index
    %swap3A_237 = vector.load %arg7[%swap3A_234, %swap3A_235, %swap3A_236] : memref<8x128x2xf32, #tpu.memory_space<vmem>>, vector<1x128x1xf32>
    %swap3A_238 = vector.shape_cast %swap3A_237 : vector<1x128x1xf32> to vector<128x1xf32>
    %swap3A_239 = vector.shape_cast %get3A_233 : vector<128x1xf32> to vector<1x128x1xf32>
    tpu.vector_store %arg7[%swap3A_234, %swap3A_235, %swap3A_236], %swap3A_239 {strides = array<i32>} : memref<8x128x2xf32, #tpu.memory_space<vmem>>, vector<1x128x1xf32>,
    %get3A_240 = arith.index_cast %get3A_207 : i32 to index
    %get3A_241 = arith.constant 0 : index
    %get3A_242 = arith.constant 0 : index
    %get3A_243 = vector.load %arg4[%get3A_240, %get3A_241, %get3A_242] : memref<8x128x128xf32, #tpu.memory_space<vmem>>, vector<1x128x128xf32>
    %get3A_244 = vector.shape_cast %get3A_243 : vector<1x128x128xf32> to vector<128x128xf32>
    %get3A_245 = arith.index_cast %get3A_217 : i32 to index
    %get3A_246 = arith.constant 0 : index
    %get3A_247 = arith.constant 0 : index
    %get3A_248 = vector.load %arg4[%get3A_245, %get3A_246, %get3A_247] : memref<8x128x128xf32, #tpu.memory_space<vmem>>, vector<1x128x128xf32>
    %get3A_249 = vector.shape_cast %get3A_248 : vector<1x128x128xf32> to vector<128x128xf32>
    %get3A_250 = arith.index_cast %get3A_207 : i32 to index
    %get3A_251 = arith.constant 0 : index
    %get3A_252 = arith.constant 0 : index
    %get3A_253 = vector.load %arg5[%get3A_250, %get3A_251, %get3A_252] : memref<8x128x1xf32, #tpu.memory_space<vmem>>, vector<1x128x1xf32>
    %get3A_254 = vector.shape_cast %get3A_253 : vector<1x128x1xf32> to vector<128x1xf32>
    %get3A_255 = arith.index_cast %get3A_217 : i32 to index
    %get3A_256 = arith.constant 0 : index
    %get3A_257 = arith.constant 0 : index
    %get3A_258 = vector.load %arg5[%get3A_255, %get3A_256, %get3A_257] : memref<8x128x1xf32, #tpu.memory_space<vmem>>, vector<1x128x1xf32>
    %get3A_259 = vector.shape_cast %get3A_258 : vector<1x128x1xf32> to vector<128x1xf32>
    %dot_general3A_260 = arith.constant dense<0.000000e+00> : vector<128x128xf32>
    %dot_general3A_261 = tpu.matmul %get3A_249, %get3A_244, %dot_general3A_260 {dimension_numbers = #tpu.dot_dimension_numbers<[1], [0], [0], [1], [0, 0, 1, 1], [], []>, transpose_lhs_hint = false} : vector<128x128xf32>, vector<128x128xf32>, vector<128x128xf32> -> vector<128x128xf32>
    %dot_general3A_262 = arith.constant dense<0.000000e+00> : vector<128x1xf32>
    %dot_general3A_263 = tpu.matmul %get3A_249, %get3A_254, %dot_general3A_262 {dimension_numbers = #tpu.dot_dimension_numbers<[1], [0], [0], [1], [0, 0, 1, 1], [], []>, transpose_lhs_hint = false} : vector<128x128xf32>, vector<128x1xf32>, vector<128x1xf32> -> vector<128x1xf32>
    %add3A_264 = arith.addf %dot_general3A_263, %get3A_259 : vector<128x1xf32>
    %convert_element_type3A_265 = arith.truncf %dot_general3A_261 : vector<128x128xf32> to vector<128x128xbf16>
    %mul3A_266 = arith.constant 8 : i32
    %mul3A_267 = arith.muli %arg0, %mul3A_266 : i32
    %add3A_268 = arith.constant 4 : i32
    %add3A_269 = arith.addi %mul3A_267, %add3A_268 : i32
    %mul3A_270 = arith.constant 2 : i32
    %mul3A_271 = arith.muli %add3A_269, %mul3A_270 : i32
    %add3A_272 = arith.constant 0 : i32
    %add3A_273 = arith.addi %mul3A_271, %add3A_272 : i32
    %get3A_274 = arith.index_cast %add3A_273 : i32 to index
    %get3A_275 = memref.load %arg1[%get3A_274] : memref<32xi32, #tpu.memory_space<smem>>
    %mul3A_276 = arith.constant 8 : i32
    %mul3A_277 = arith.muli %arg0, %mul3A_276 : i32
    %add3A_278 = arith.constant 4 : i32
    %add3A_279 = arith.addi %mul3A_277, %add3A_278 : i32
    %mul3A_280 = arith.constant 2 : i32
    %mul3A_281 = arith.muli %add3A_279, %mul3A_280 : i32
    %add3A_282 = arith.constant 1 : i32
    %add3A_283 = arith.addi %mul3A_281, %add3A_282 : i32
    %get3A_284 = arith.index_cast %add3A_283 : i32 to index
    %get3A_285 = memref.load %arg1[%get3A_284] : memref<32xi32, #tpu.memory_space<smem>>
    %get3A_286 = arith.index_cast %get3A_275 : i32 to index
    %get3A_287 = arith.constant 0 : index
    %get3A_288 = arith.constant 0 : index
    %get3A_289 = vector.load %arg3[%get3A_286, %get3A_287, %get3A_288] : memref<8x128x1xf32, #tpu.memory_space<vmem>>, vector<1x128x1xf32>
    %get3A_290 = vector.shape_cast %get3A_289 : vector<1x128x1xf32> to vector<128x1xf32>
    %swap3A_291 = arith.constant 4 : index
    %swap3A_292 = arith.constant 0 : index
    %swap3A_293 = arith.constant 0 : index
    %swap3A_294 = vector.load %arg7[%swap3A_291, %swap3A_292, %swap3A_293] : memref<8x128x2xf32, #tpu.memory_space<vmem>>, vector<1x128x1xf32>
    %swap3A_295 = vector.shape_cast %swap3A_294 : vector<1x128x1xf32> to vector<128x1xf32>
    %swap3A_296 = vector.shape_cast %get3A_290 : vector<128x1xf32> to vector<1x128x1xf32>
    tpu.vector_store %arg7[%swap3A_291, %swap3A_292, %swap3A_293], %swap3A_296 {strides = array<i32>} : memref<8x128x2xf32, #tpu.memory_space<vmem>>, vector<1x128x1xf32>,
    %get3A_297 = arith.index_cast %get3A_285 : i32 to index
    %get3A_298 = arith.constant 0 : index
    %get3A_299 = arith.constant 0 : index
    %get3A_300 = vector.load %arg3[%get3A_297, %get3A_298, %get3A_299] : memref<8x128x1xf32, #tpu.memory_space<vmem>>, vector<1x128x1xf32>
    %get3A_301 = vector.shape_cast %get3A_300 : vector<1x128x1xf32> to vector<128x1xf32>
    %swap3A_302 = arith.constant 4 : index
    %swap3A_303 = arith.constant 0 : index
    %swap3A_304 = arith.constant 1 : index
    %swap3A_305 = vector.load %arg7[%swap3A_302, %swap3A_303, %swap3A_304] : memref<8x128x2xf32, #tpu.memory_space<vmem>>, vector<1x128x1xf32>
    %swap3A_306 = vector.shape_cast %swap3A_305 : vector<1x128x1xf32> to vector<128x1xf32>
    %swap3A_307 = vector.shape_cast %get3A_301 : vector<128x1xf32> to vector<1x128x1xf32>
    tpu.vector_store %arg7[%swap3A_302, %swap3A_303, %swap3A_304], %swap3A_307 {strides = array<i32>} : memref<8x128x2xf32, #tpu.memory_space<vmem>>, vector<1x128x1xf32>,
    %get3A_308 = arith.index_cast %get3A_275 : i32 to index
    %get3A_309 = arith.constant 0 : index
    %get3A_310 = arith.constant 0 : index
    %get3A_311 = vector.load %arg4[%get3A_308, %get3A_309, %get3A_310] : memref<8x128x128xf32, #tpu.memory_space<vmem>>, vector<1x128x128xf32>
    %get3A_312 = vector.shape_cast %get3A_311 : vector<1x128x128xf32> to vector<128x128xf32>
    %get3A_313 = arith.index_cast %get3A_285 : i32 to index
    %get3A_314 = arith.constant 0 : index
    %get3A_315 = arith.constant 0 : index
    %get3A_316 = vector.load %arg4[%get3A_313, %get3A_314, %get3A_315] : memref<8x128x128xf32, #tpu.memory_space<vmem>>, vector<1x128x128xf32>
    %get3A_317 = vector.shape_cast %get3A_316 : vector<1x128x128xf32> to vector<128x128xf32>
    %get3A_318 = arith.index_cast %get3A_275 : i32 to index
    %get3A_319 = arith.constant 0 : index
    %get3A_320 = arith.constant 0 : index
    %get3A_321 = vector.load %arg5[%get3A_318, %get3A_319, %get3A_320] : memref<8x128x1xf32, #tpu.memory_space<vmem>>, vector<1x128x1xf32>
    %get3A_322 = vector.shape_cast %get3A_321 : vector<1x128x1xf32> to vector<128x1xf32>
    %get3A_323 = arith.index_cast %get3A_285 : i32 to index
    %get3A_324 = arith.constant 0 : index
    %get3A_325 = arith.constant 0 : index
    %get3A_326 = vector.load %arg5[%get3A_323, %get3A_324, %get3A_325] : memref<8x128x1xf32, #tpu.memory_space<vmem>>, vector<1x128x1xf32>
    %get3A_327 = vector.shape_cast %get3A_326 : vector<1x128x1xf32> to vector<128x1xf32>
    %dot_general3A_328 = arith.constant dense<0.000000e+00> : vector<128x128xf32>
    %dot_general3A_329 = tpu.matmul %get3A_317, %get3A_312, %dot_general3A_328 {dimension_numbers = #tpu.dot_dimension_numbers<[1], [0], [0], [1], [0, 0, 1, 1], [], []>, transpose_lhs_hint = false} : vector<128x128xf32>, vector<128x128xf32>, vector<128x128xf32> -> vector<128x128xf32>
    %dot_general3A_330 = arith.constant dense<0.000000e+00> : vector<128x1xf32>
    %dot_general3A_331 = tpu.matmul %get3A_317, %get3A_322, %dot_general3A_330 {dimension_numbers = #tpu.dot_dimension_numbers<[1], [0], [0], [1], [0, 0, 1, 1], [], []>, transpose_lhs_hint = false} : vector<128x128xf32>, vector<128x1xf32>, vector<128x1xf32> -> vector<128x1xf32>
    %add3A_332 = arith.addf %dot_general3A_331, %get3A_327 : vector<128x1xf32>
    %convert_element_type3A_333 = arith.truncf %dot_general3A_329 : vector<128x128xf32> to vector<128x128xbf16>
    %mul3A_334 = arith.constant 8 : i32
    %mul3A_335 = arith.muli %arg0, %mul3A_334 : i32
    %add3A_336 = arith.constant 5 : i32
    %add3A_337 = arith.addi %mul3A_335, %add3A_336 : i32
    %mul3A_338 = arith.constant 2 : i32
    %mul3A_339 = arith.muli %add3A_337, %mul3A_338 : i32
    %add3A_340 = arith.constant 0 : i32
    %add3A_341 = arith.addi %mul3A_339, %add3A_340 : i32
    %get3A_342 = arith.index_cast %add3A_341 : i32 to index
    %get3A_343 = memref.load %arg1[%get3A_342] : memref<32xi32, #tpu.memory_space<smem>>
    %mul3A_344 = arith.constant 8 : i32
    %mul3A_345 = arith.muli %arg0, %mul3A_344 : i32
    %add3A_346 = arith.constant 5 : i32
    %add3A_347 = arith.addi %mul3A_345, %add3A_346 : i32
    %mul3A_348 = arith.constant 2 : i32
    %mul3A_349 = arith.muli %add3A_347, %mul3A_348 : i32
    %add3A_350 = arith.constant 1 : i32
    %add3A_351 = arith.addi %mul3A_349, %add3A_350 : i32
    %get3A_352 = arith.index_cast %add3A_351 : i32 to index
    %get3A_353 = memref.load %arg1[%get3A_352] : memref<32xi32, #tpu.memory_space<smem>>
    %get3A_354 = arith.index_cast %get3A_343 : i32 to index
    %get3A_355 = arith.constant 0 : index
    %get3A_356 = arith.constant 0 : index
    %get3A_357 = vector.load %arg3[%get3A_354, %get3A_355, %get3A_356] : memref<8x128x1xf32, #tpu.memory_space<vmem>>, vector<1x128x1xf32>
    %get3A_358 = vector.shape_cast %get3A_357 : vector<1x128x1xf32> to vector<128x1xf32>
    %swap3A_359 = arith.constant 5 : index
    %swap3A_360 = arith.constant 0 : index
    %swap3A_361 = arith.constant 0 : index
    %swap3A_362 = vector.load %arg7[%swap3A_359, %swap3A_360, %swap3A_361] : memref<8x128x2xf32, #tpu.memory_space<vmem>>, vector<1x128x1xf32>
    %swap3A_363 = vector.shape_cast %swap3A_362 : vector<1x128x1xf32> to vector<128x1xf32>
    %swap3A_364 = vector.shape_cast %get3A_358 : vector<128x1xf32> to vector<1x128x1xf32>
    tpu.vector_store %arg7[%swap3A_359, %swap3A_360, %swap3A_361], %swap3A_364 {strides = array<i32>} : memref<8x128x2xf32, #tpu.memory_space<vmem>>, vector<1x128x1xf32>,
    %get3A_365 = arith.index_cast %get3A_353 : i32 to index
    %get3A_366 = arith.constant 0 : index
    %get3A_367 = arith.constant 0 : index
    %get3A_368 = vector.load %arg3[%get3A_365, %get3A_366, %get3A_367] : memref<8x128x1xf32, #tpu.memory_space<vmem>>, vector<1x128x1xf32>
    %get3A_369 = vector.shape_cast %get3A_368 : vector<1x128x1xf32> to vector<128x1xf32>
    %swap3A_370 = arith.constant 5 : index
    %swap3A_371 = arith.constant 0 : index
    %swap3A_372 = arith.constant 1 : index
    %swap3A_373 = vector.load %arg7[%swap3A_370, %swap3A_371, %swap3A_372] : memref<8x128x2xf32, #tpu.memory_space<vmem>>, vector<1x128x1xf32>
    %swap3A_374 = vector.shape_cast %swap3A_373 : vector<1x128x1xf32> to vector<128x1xf32>
    %swap3A_375 = vector.shape_cast %get3A_369 : vector<128x1xf32> to vector<1x128x1xf32>
    tpu.vector_store %arg7[%swap3A_370, %swap3A_371, %swap3A_372], %swap3A_375 {strides = array<i32>} : memref<8x128x2xf32, #tpu.memory_space<vmem>>, vector<1x128x1xf32>,
    %get3A_376 = arith.index_cast %get3A_343 : i32 to index
    %get3A_377 = arith.constant 0 : index
    %get3A_378 = arith.constant 0 : index
    %get3A_379 = vector.load %arg4[%get3A_376, %get3A_377, %get3A_378] : memref<8x128x128xf32, #tpu.memory_space<vmem>>, vector<1x128x128xf32>
    %get3A_380 = vector.shape_cast %get3A_379 : vector<1x128x128xf32> to vector<128x128xf32>
    %get3A_381 = arith.index_cast %get3A_353 : i32 to index
    %get3A_382 = arith.constant 0 : index
    %get3A_383 = arith.constant 0 : index
    %get3A_384 = vector.load %arg4[%get3A_381, %get3A_382, %get3A_383] : memref<8x128x128xf32, #tpu.memory_space<vmem>>, vector<1x128x128xf32>
    %get3A_385 = vector.shape_cast %get3A_384 : vector<1x128x128xf32> to vector<128x128xf32>
    %get3A_386 = arith.index_cast %get3A_343 : i32 to index
    %get3A_387 = arith.constant 0 : index
    %get3A_388 = arith.constant 0 : index
    %get3A_389 = vector.load %arg5[%get3A_386, %get3A_387, %get3A_388] : memref<8x128x1xf32, #tpu.memory_space<vmem>>, vector<1x128x1xf32>
    %get3A_390 = vector.shape_cast %get3A_389 : vector<1x128x1xf32> to vector<128x1xf32>
    %get3A_391 = arith.index_cast %get3A_353 : i32 to index
    %get3A_392 = arith.constant 0 : index
    %get3A_393 = arith.constant 0 : index
    %get3A_394 = vector.load %arg5[%get3A_391, %get3A_392, %get3A_393] : memref<8x128x1xf32, #tpu.memory_space<vmem>>, vector<1x128x1xf32>
    %get3A_395 = vector.shape_cast %get3A_394 : vector<1x128x1xf32> to vector<128x1xf32>
    %dot_general3A_396 = arith.constant dense<0.000000e+00> : vector<128x128xf32>
    %dot_general3A_397 = tpu.matmul %get3A_385, %get3A_380, %dot_general3A_396 {dimension_numbers = #tpu.dot_dimension_numbers<[1], [0], [0], [1], [0, 0, 1, 1], [], []>, transpose_lhs_hint = false} : vector<128x128xf32>, vector<128x128xf32>, vector<128x128xf32> -> vector<128x128xf32>
    %dot_general3A_398 = arith.constant dense<0.000000e+00> : vector<128x1xf32>
    %dot_general3A_399 = tpu.matmul %get3A_385, %get3A_390, %dot_general3A_398 {dimension_numbers = #tpu.dot_dimension_numbers<[1], [0], [0], [1], [0, 0, 1, 1], [], []>, transpose_lhs_hint = false} : vector<128x128xf32>, vector<128x1xf32>, vector<128x1xf32> -> vector<128x1xf32>
    %add3A_400 = arith.addf %dot_general3A_399, %get3A_395 : vector<128x1xf32>
    %convert_element_type3A_401 = arith.truncf %dot_general3A_397 : vector<128x128xf32> to vector<128x128xbf16>
    %mul3A_402 = arith.constant 8 : i32
    %mul3A_403 = arith.muli %arg0, %mul3A_402 : i32
    %add3A_404 = arith.constant 6 : i32
    %add3A_405 = arith.addi %mul3A_403, %add3A_404 : i32
    %mul3A_406 = arith.constant 2 : i32
    %mul3A_407 = arith.muli %add3A_405, %mul3A_406 : i32
    %add3A_408 = arith.constant 0 : i32
    %add3A_409 = arith.addi %mul3A_407, %add3A_408 : i32
    %get3A_410 = arith.index_cast %add3A_409 : i32 to index
    %get3A_411 = memref.load %arg1[%get3A_410] : memref<32xi32, #tpu.memory_space<smem>>
    %mul3A_412 = arith.constant 8 : i32
    %mul3A_413 = arith.muli %arg0, %mul3A_412 : i32
    %add3A_414 = arith.constant 6 : i32
    %add3A_415 = arith.addi %mul3A_413, %add3A_414 : i32
    %mul3A_416 = arith.constant 2 : i32
    %mul3A_417 = arith.muli %add3A_415, %mul3A_416 : i32
    %add3A_418 = arith.constant 1 : i32
    %add3A_419 = arith.addi %mul3A_417, %add3A_418 : i32
    %get3A_420 = arith.index_cast %add3A_419 : i32 to index
    %get3A_421 = memref.load %arg1[%get3A_420] : memref<32xi32, #tpu.memory_space<smem>>
    %get3A_422 = arith.index_cast %get3A_411 : i32 to index
    %get3A_423 = arith.constant 0 : index
    %get3A_424 = arith.constant 0 : index
    %get3A_425 = vector.load %arg3[%get3A_422, %get3A_423, %get3A_424] : memref<8x128x1xf32, #tpu.memory_space<vmem>>, vector<1x128x1xf32>
    %get3A_426 = vector.shape_cast %get3A_425 : vector<1x128x1xf32> to vector<128x1xf32>
    %swap3A_427 = arith.constant 6 : index
    %swap3A_428 = arith.constant 0 : index
    %swap3A_429 = arith.constant 0 : index
    %swap3A_430 = vector.load %arg7[%swap3A_427, %swap3A_428, %swap3A_429] : memref<8x128x2xf32, #tpu.memory_space<vmem>>, vector<1x128x1xf32>
    %swap3A_431 = vector.shape_cast %swap3A_430 : vector<1x128x1xf32> to vector<128x1xf32>
    %swap3A_432 = vector.shape_cast %get3A_426 : vector<128x1xf32> to vector<1x128x1xf32>
    tpu.vector_store %arg7[%swap3A_427, %swap3A_428, %swap3A_429], %swap3A_432 {strides = array<i32>} : memref<8x128x2xf32, #tpu.memory_space<vmem>>, vector<1x128x1xf32>,
    %get3A_433 = arith.index_cast %get3A_421 : i32 to index
    %get3A_434 = arith.constant 0 : index
    %get3A_435 = arith.constant 0 : index
    %get3A_436 = vector.load %arg3[%get3A_433, %get3A_434, %get3A_435] : memref<8x128x1xf32, #tpu.memory_space<vmem>>, vector<1x128x1xf32>
    %get3A_437 = vector.shape_cast %get3A_436 : vector<1x128x1xf32> to vector<128x1xf32>
    %swap3A_438 = arith.constant 6 : index
    %swap3A_439 = arith.constant 0 : index
    %swap3A_440 = arith.constant 1 : index
    %swap3A_441 = vector.load %arg7[%swap3A_438, %swap3A_439, %swap3A_440] : memref<8x128x2xf32, #tpu.memory_space<vmem>>, vector<1x128x1xf32>
    %swap3A_442 = vector.shape_cast %swap3A_441 : vector<1x128x1xf32> to vector<128x1xf32>
    %swap3A_443 = vector.shape_cast %get3A_437 : vector<128x1xf32> to vector<1x128x1xf32>
    tpu.vector_store %arg7[%swap3A_438, %swap3A_439, %swap3A_440], %swap3A_443 {strides = array<i32>} : memref<8x128x2xf32, #tpu.memory_space<vmem>>, vector<1x128x1xf32>,
    %get3A_444 = arith.index_cast %get3A_411 : i32 to index
    %get3A_445 = arith.constant 0 : index
    %get3A_446 = arith.constant 0 : index
    %get3A_447 = vector.load %arg4[%get3A_444, %get3A_445, %get3A_446] : memref<8x128x128xf32, #tpu.memory_space<vmem>>, vector<1x128x128xf32>
    %get3A_448 = vector.shape_cast %get3A_447 : vector<1x128x128xf32> to vector<128x128xf32>
    %get3A_449 = arith.index_cast %get3A_421 : i32 to index
    %get3A_450 = arith.constant 0 : index
    %get3A_451 = arith.constant 0 : index
    %get3A_452 = vector.load %arg4[%get3A_449, %get3A_450, %get3A_451] : memref<8x128x128xf32, #tpu.memory_space<vmem>>, vector<1x128x128xf32>
    %get3A_453 = vector.shape_cast %get3A_452 : vector<1x128x128xf32> to vector<128x128xf32>
    %get3A_454 = arith.index_cast %get3A_411 : i32 to index
    %get3A_455 = arith.constant 0 : index
    %get3A_456 = arith.constant 0 : index
    %get3A_457 = vector.load %arg5[%get3A_454, %get3A_455, %get3A_456] : memref<8x128x1xf32, #tpu.memory_space<vmem>>, vector<1x128x1xf32>
    %get3A_458 = vector.shape_cast %get3A_457 : vector<1x128x1xf32> to vector<128x1xf32>
    %get3A_459 = arith.index_cast %get3A_421 : i32 to index
    %get3A_460 = arith.constant 0 : index
    %get3A_461 = arith.constant 0 : index
    %get3A_462 = vector.load %arg5[%get3A_459, %get3A_460, %get3A_461] : memref<8x128x1xf32, #tpu.memory_space<vmem>>, vector<1x128x1xf32>
    %get3A_463 = vector.shape_cast %get3A_462 : vector<1x128x1xf32> to vector<128x1xf32>
    %dot_general3A_464 = arith.constant dense<0.000000e+00> : vector<128x128xf32>
    %dot_general3A_465 = tpu.matmul %get3A_453, %get3A_448, %dot_general3A_464 {dimension_numbers = #tpu.dot_dimension_numbers<[1], [0], [0], [1], [0, 0, 1, 1], [], []>, transpose_lhs_hint = false} : vector<128x128xf32>, vector<128x128xf32>, vector<128x128xf32> -> vector<128x128xf32>
    %dot_general3A_466 = arith.constant dense<0.000000e+00> : vector<128x1xf32>
    %dot_general3A_467 = tpu.matmul %get3A_453, %get3A_458, %dot_general3A_466 {dimension_numbers = #tpu.dot_dimension_numbers<[1], [0], [0], [1], [0, 0, 1, 1], [], []>, transpose_lhs_hint = false} : vector<128x128xf32>, vector<128x1xf32>, vector<128x1xf32> -> vector<128x1xf32>
    %add3A_468 = arith.addf %dot_general3A_467, %get3A_463 : vector<128x1xf32>
    %convert_element_type3A_469 = arith.truncf %dot_general3A_465 : vector<128x128xf32> to vector<128x128xbf16>
    %mul3A_470 = arith.constant 8 : i32
    %mul3A_471 = arith.muli %arg0, %mul3A_470 : i32
    %add3A_472 = arith.constant 7 : i32
    %add3A_473 = arith.addi %mul3A_471, %add3A_472 : i32
    %mul3A_474 = arith.constant 2 : i32
    %mul3A_475 = arith.muli %add3A_473, %mul3A_474 : i32
    %add3A_476 = arith.constant 0 : i32
    %add3A_477 = arith.addi %mul3A_475, %add3A_476 : i32
    %get3A_478 = arith.index_cast %add3A_477 : i32 to index
    %get3A_479 = memref.load %arg1[%get3A_478] : memref<32xi32, #tpu.memory_space<smem>>
    %mul3A_480 = arith.constant 8 : i32
    %mul3A_481 = arith.muli %arg0, %mul3A_480 : i32
    %add3A_482 = arith.constant 7 : i32
    %add3A_483 = arith.addi %mul3A_481, %add3A_482 : i32
    %mul3A_484 = arith.constant 2 : i32
    %mul3A_485 = arith.muli %add3A_483, %mul3A_484 : i32
    %add3A_486 = arith.constant 1 : i32
    %add3A_487 = arith.addi %mul3A_485, %add3A_486 : i32
    %get3A_488 = arith.index_cast %add3A_487 : i32 to index
    %get3A_489 = memref.load %arg1[%get3A_488] : memref<32xi32, #tpu.memory_space<smem>>
    %get3A_490 = arith.index_cast %get3A_479 : i32 to index
    %get3A_491 = arith.constant 0 : index
    %get3A_492 = arith.constant 0 : index
    %get3A_493 = vector.load %arg3[%get3A_490, %get3A_491, %get3A_492] : memref<8x128x1xf32, #tpu.memory_space<vmem>>, vector<1x128x1xf32>
    %get3A_494 = vector.shape_cast %get3A_493 : vector<1x128x1xf32> to vector<128x1xf32>
    %swap3A_495 = arith.constant 7 : index
    %swap3A_496 = arith.constant 0 : index
    %swap3A_497 = arith.constant 0 : index
    %swap3A_498 = vector.load %arg7[%swap3A_495, %swap3A_496, %swap3A_497] : memref<8x128x2xf32, #tpu.memory_space<vmem>>, vector<1x128x1xf32>
    %swap3A_499 = vector.shape_cast %swap3A_498 : vector<1x128x1xf32> to vector<128x1xf32>
    %swap3A_500 = vector.shape_cast %get3A_494 : vector<128x1xf32> to vector<1x128x1xf32>
    tpu.vector_store %arg7[%swap3A_495, %swap3A_496, %swap3A_497], %swap3A_500 {strides = array<i32>} : memref<8x128x2xf32, #tpu.memory_space<vmem>>, vector<1x128x1xf32>,
    %get3A_501 = arith.index_cast %get3A_489 : i32 to index
    %get3A_502 = arith.constant 0 : index
    %get3A_503 = arith.constant 0 : index
    %get3A_504 = vector.load %arg3[%get3A_501, %get3A_502, %get3A_503] : memref<8x128x1xf32, #tpu.memory_space<vmem>>, vector<1x128x1xf32>
    %get3A_505 = vector.shape_cast %get3A_504 : vector<1x128x1xf32> to vector<128x1xf32>
    %swap3A_506 = arith.constant 7 : index
    %swap3A_507 = arith.constant 0 : index
    %swap3A_508 = arith.constant 1 : index
    %swap3A_509 = vector.load %arg7[%swap3A_506, %swap3A_507, %swap3A_508] : memref<8x128x2xf32, #tpu.memory_space<vmem>>, vector<1x128x1xf32>
    %swap3A_510 = vector.shape_cast %swap3A_509 : vector<1x128x1xf32> to vector<128x1xf32>
    %swap3A_511 = vector.shape_cast %get3A_505 : vector<128x1xf32> to vector<1x128x1xf32>
    tpu.vector_store %arg7[%swap3A_506, %swap3A_507, %swap3A_508], %swap3A_511 {strides = array<i32>} : memref<8x128x2xf32, #tpu.memory_space<vmem>>, vector<1x128x1xf32>,
    %get3A_512 = arith.index_cast %get3A_479 : i32 to index
    %get3A_513 = arith.constant 0 : index
    %get3A_514 = arith.constant 0 : index
    %get3A_515 = vector.load %arg4[%get3A_512, %get3A_513, %get3A_514] : memref<8x128x128xf32, #tpu.memory_space<vmem>>, vector<1x128x128xf32>
    %get3A_516 = vector.shape_cast %get3A_515 : vector<1x128x128xf32> to vector<128x128xf32>
    %get3A_517 = arith.index_cast %get3A_489 : i32 to index
    %get3A_518 = arith.constant 0 : index
    %get3A_519 = arith.constant 0 : index
    %get3A_520 = vector.load %arg4[%get3A_517, %get3A_518, %get3A_519] : memref<8x128x128xf32, #tpu.memory_space<vmem>>, vector<1x128x128xf32>
    %get3A_521 = vector.shape_cast %get3A_520 : vector<1x128x128xf32> to vector<128x128xf32>
    %get3A_522 = arith.index_cast %get3A_479 : i32 to index
    %get3A_523 = arith.constant 0 : index
    %get3A_524 = arith.constant 0 : index
    %get3A_525 = vector.load %arg5[%get3A_522, %get3A_523, %get3A_524] : memref<8x128x1xf32, #tpu.memory_space<vmem>>, vector<1x128x1xf32>
    %get3A_526 = vector.shape_cast %get3A_525 : vector<1x128x1xf32> to vector<128x1xf32>
    %get3A_527 = arith.index_cast %get3A_489 : i32 to index
    %get3A_528 = arith.constant 0 : index
    %get3A_529 = arith.constant 0 : index
    %get3A_530 = vector.load %arg5[%get3A_527, %get3A_528, %get3A_529] : memref<8x128x1xf32, #tpu.memory_space<vmem>>, vector<1x128x1xf32>
    %get3A_531 = vector.shape_cast %get3A_530 : vector<1x128x1xf32> to vector<128x1xf32>
    %dot_general3A_532 = arith.constant dense<0.000000e+00> : vector<128x128xf32>
    %dot_general3A_533 = tpu.matmul %get3A_521, %get3A_516, %dot_general3A_532 {dimension_numbers = #tpu.dot_dimension_numbers<[1], [0], [0], [1], [0, 0, 1, 1], [], []>, transpose_lhs_hint = false} : vector<128x128xf32>, vector<128x128xf32>, vector<128x128xf32> -> vector<128x128xf32>
    %dot_general3A_534 = arith.constant dense<0.000000e+00> : vector<128x1xf32>
    %dot_general3A_535 = tpu.matmul %get3A_521, %get3A_526, %dot_general3A_534 {dimension_numbers = #tpu.dot_dimension_numbers<[1], [0], [0], [1], [0, 0, 1, 1], [], []>, transpose_lhs_hint = false} : vector<128x128xf32>, vector<128x1xf32>, vector<128x1xf32> -> vector<128x1xf32>
    %add3A_536 = arith.addf %dot_general3A_535, %get3A_531 : vector<128x1xf32>
    %convert_element_type3A_537 = arith.truncf %dot_general3A_533 : vector<128x128xf32> to vector<128x128xbf16>
    %get3A_538 = arith.constant 0 : index
    %get3A_539 = arith.constant 0 : index
    %get3A_540 = arith.constant 0 : index
    %get3A_541 = vector.load %arg2[%get3A_538, %get3A_539, %get3A_540] : memref<8x128x3136xf32, #tpu.memory_space<vmem>>, vector<1x128x3136xf32>
    %get3A_542 = vector.shape_cast %get3A_541 : vector<1x128x3136xf32> to vector<128x3136xf32>
    %convert_element_type3A_543 = arith.truncf %get3A_542 : vector<128x3136xf32> to vector<128x3136xbf16>
    %dot_general3A_544 = arith.constant dense<0.000000e+00> : vector<128x3136xf32>
    %dot_general3A_545 = tpu.matmul %convert_element_type3A, %convert_element_type3A_543, %dot_general3A_544 {dimension_numbers = #tpu.dot_dimension_numbers<[1], [0], [0], [1], [0, 0, 1, 1], [], []>, transpose_lhs_hint = false} : vector<128x128xbf16>, vector<128x3136xbf16>, vector<128x3136xf32> -> vector<128x3136xf32>
    %add3A_546 = vector.broadcast %add3A_61 : vector<128x1xf32> to vector<128x3136xf32>
    %add3A_547 = arith.addf %dot_general3A_545, %add3A_546 : vector<128x3136xf32>
    %convert_element_type3A_548 = arith.truncf %add3A_547 : vector<128x3136xf32> to vector<128x3136xbf16>
    %swap3A_549 = arith.constant 0 : index
    %swap3A_550 = arith.constant 0 : index
    %swap3A_551 = arith.constant 0 : index
    %swap3A_552 = vector.load %arg6[%swap3A_549, %swap3A_550, %swap3A_551] : memref<8x128x3136xbf16, #tpu.memory_space<vmem>>, vector<1x128x3136xbf16>
    %swap3A_553 = vector.shape_cast %swap3A_552 : vector<1x128x3136xbf16> to vector<128x3136xbf16>
    %swap3A_554 = vector.shape_cast %convert_element_type3A_548 : vector<128x3136xbf16> to vector<1x128x3136xbf16>
    tpu.vector_store %arg6[%swap3A_549, %swap3A_550, %swap3A_551], %swap3A_554 {strides = array<i32>} : memref<8x128x3136xbf16, #tpu.memory_space<vmem>>, vector<1x128x3136xbf16>,
    %get3A_555 = arith.constant 1 : index
    %get3A_556 = arith.constant 0 : index
    %get3A_557 = arith.constant 0 : index
    %get3A_558 = vector.load %arg2[%get3A_555, %get3A_556, %get3A_557] : memref<8x128x3136xf32, #tpu.memory_space<vmem>>, vector<1x128x3136xf32>
    %get3A_559 = vector.shape_cast %get3A_558 : vector<1x128x3136xf32> to vector<128x3136xf32>
    %convert_element_type3A_560 = arith.truncf %get3A_559 : vector<128x3136xf32> to vector<128x3136xbf16>
    %dot_general3A_561 = arith.constant dense<0.000000e+00> : vector<128x3136xf32>
    %dot_general3A_562 = tpu.matmul %convert_element_type3A_129, %convert_element_type3A_560, %dot_general3A_561 {dimension_numbers = #tpu.dot_dimension_numbers<[1], [0], [0], [1], [0, 0, 1, 1], [], []>, transpose_lhs_hint = false} : vector<128x128xbf16>, vector<128x3136xbf16>, vector<128x3136xf32> -> vector<128x3136xf32>
    %add3A_563 = vector.broadcast %add3A_128 : vector<128x1xf32> to vector<128x3136xf32>
    %add3A_564 = arith.addf %dot_general3A_562, %add3A_563 : vector<128x3136xf32>
    %convert_element_type3A_565 = arith.truncf %add3A_564 : vector<128x3136xf32> to vector<128x3136xbf16>
    %swap3A_566 = arith.constant 1 : index
    %swap3A_567 = arith.constant 0 : index
    %swap3A_568 = arith.constant 0 : index
    %swap3A_569 = vector.load %arg6[%swap3A_566, %swap3A_567, %swap3A_568] : memref<8x128x3136xbf16, #tpu.memory_space<vmem>>, vector<1x128x3136xbf16>
    %swap3A_570 = vector.shape_cast %swap3A_569 : vector<1x128x3136xbf16> to vector<128x3136xbf16>
    %swap3A_571 = vector.shape_cast %convert_element_type3A_565 : vector<128x3136xbf16> to vector<1x128x3136xbf16>
    tpu.vector_store %arg6[%swap3A_566, %swap3A_567, %swap3A_568], %swap3A_571 {strides = array<i32>} : memref<8x128x3136xbf16, #tpu.memory_space<vmem>>, vector<1x128x3136xbf16>,
    %get3A_572 = arith.constant 2 : index
    %get3A_573 = arith.constant 0 : index
    %get3A_574 = arith.constant 0 : index
    %get3A_575 = vector.load %arg2[%get3A_572, %get3A_573, %get3A_574] : memref<8x128x3136xf32, #tpu.memory_space<vmem>>, vector<1x128x3136xf32>
    %get3A_576 = vector.shape_cast %get3A_575 : vector<1x128x3136xf32> to vector<128x3136xf32>
    %convert_element_type3A_577 = arith.truncf %get3A_576 : vector<128x3136xf32> to vector<128x3136xbf16>
    %dot_general3A_578 = arith.constant dense<0.000000e+00> : vector<128x3136xf32>
    %dot_general3A_579 = tpu.matmul %convert_element_type3A_197, %convert_element_type3A_577, %dot_general3A_578 {dimension_numbers = #tpu.dot_dimension_numbers<[1], [0], [0], [1], [0, 0, 1, 1], [], []>, transpose_lhs_hint = false} : vector<128x128xbf16>, vector<128x3136xbf16>, vector<128x3136xf32> -> vector<128x3136xf32>
    %add3A_580 = vector.broadcast %add3A_196 : vector<128x1xf32> to vector<128x3136xf32>
    %add3A_581 = arith.addf %dot_general3A_579, %add3A_580 : vector<128x3136xf32>
    %convert_element_type3A_582 = arith.truncf %add3A_581 : vector<128x3136xf32> to vector<128x3136xbf16>
    %swap3A_583 = arith.constant 2 : index
    %swap3A_584 = arith.constant 0 : index
    %swap3A_585 = arith.constant 0 : index
    %swap3A_586 = vector.load %arg6[%swap3A_583, %swap3A_584, %swap3A_585] : memref<8x128x3136xbf16, #tpu.memory_space<vmem>>, vector<1x128x3136xbf16>
    %swap3A_587 = vector.shape_cast %swap3A_586 : vector<1x128x3136xbf16> to vector<128x3136xbf16>
    %swap3A_588 = vector.shape_cast %convert_element_type3A_582 : vector<128x3136xbf16> to vector<1x128x3136xbf16>
    tpu.vector_store %arg6[%swap3A_583, %swap3A_584, %swap3A_585], %swap3A_588 {strides = array<i32>} : memref<8x128x3136xbf16, #tpu.memory_space<vmem>>, vector<1x128x3136xbf16>,
    %get3A_589 = arith.constant 3 : index
    %get3A_590 = arith.constant 0 : index
    %get3A_591 = arith.constant 0 : index
    %get3A_592 = vector.load %arg2[%get3A_589, %get3A_590, %get3A_591] : memref<8x128x3136xf32, #tpu.memory_space<vmem>>, vector<1x128x3136xf32>
    %get3A_593 = vector.shape_cast %get3A_592 : vector<1x128x3136xf32> to vector<128x3136xf32>
    %convert_element_type3A_594 = arith.truncf %get3A_593 : vector<128x3136xf32> to vector<128x3136xbf16>
    %dot_general3A_595 = arith.constant dense<0.000000e+00> : vector<128x3136xf32>
    %dot_general3A_596 = tpu.matmul %convert_element_type3A_265, %convert_element_type3A_594, %dot_general3A_595 {dimension_numbers = #tpu.dot_dimension_numbers<[1], [0], [0], [1], [0, 0, 1, 1], [], []>, transpose_lhs_hint = false} : vector<128x128xbf16>, vector<128x3136xbf16>, vector<128x3136xf32> -> vector<128x3136xf32>
    %add3A_597 = vector.broadcast %add3A_264 : vector<128x1xf32> to vector<128x3136xf32>
    %add3A_598 = arith.addf %dot_general3A_596, %add3A_597 : vector<128x3136xf32>
    %convert_element_type3A_599 = arith.truncf %add3A_598 : vector<128x3136xf32> to vector<128x3136xbf16>
    %swap3A_600 = arith.constant 3 : index
    %swap3A_601 = arith.constant 0 : index
    %swap3A_602 = arith.constant 0 : index
    %swap3A_603 = vector.load %arg6[%swap3A_600, %swap3A_601, %swap3A_602] : memref<8x128x3136xbf16, #tpu.memory_space<vmem>>, vector<1x128x3136xbf16>
    %swap3A_604 = vector.shape_cast %swap3A_603 : vector<1x128x3136xbf16> to vector<128x3136xbf16>
    %swap3A_605 = vector.shape_cast %convert_element_type3A_599 : vector<128x3136xbf16> to vector<1x128x3136xbf16>
    tpu.vector_store %arg6[%swap3A_600, %swap3A_601, %swap3A_602], %swap3A_605 {strides = array<i32>} : memref<8x128x3136xbf16, #tpu.memory_space<vmem>>, vector<1x128x3136xbf16>,
    %get3A_606 = arith.constant 4 : index
    %get3A_607 = arith.constant 0 : index
    %get3A_608 = arith.constant 0 : index
    %get3A_609 = vector.load %arg2[%get3A_606, %get3A_607, %get3A_608] : memref<8x128x3136xf32, #tpu.memory_space<vmem>>, vector<1x128x3136xf32>
    %get3A_610 = vector.shape_cast %get3A_609 : vector<1x128x3136xf32> to vector<128x3136xf32>
    %convert_element_type3A_611 = arith.truncf %get3A_610 : vector<128x3136xf32> to vector<128x3136xbf16>
    %dot_general3A_612 = arith.constant dense<0.000000e+00> : vector<128x3136xf32>
    %dot_general3A_613 = tpu.matmul %convert_element_type3A_333, %convert_element_type3A_611, %dot_general3A_612 {dimension_numbers = #tpu.dot_dimension_numbers<[1], [0], [0], [1], [0, 0, 1, 1], [], []>, transpose_lhs_hint = false} : vector<128x128xbf16>, vector<128x3136xbf16>, vector<128x3136xf32> -> vector<128x3136xf32>
    %add3A_614 = vector.broadcast %add3A_332 : vector<128x1xf32> to vector<128x3136xf32>
    %add3A_615 = arith.addf %dot_general3A_613, %add3A_614 : vector<128x3136xf32>
    %convert_element_type3A_616 = arith.truncf %add3A_615 : vector<128x3136xf32> to vector<128x3136xbf16>
    %swap3A_617 = arith.constant 4 : index
    %swap3A_618 = arith.constant 0 : index
    %swap3A_619 = arith.constant 0 : index
    %swap3A_620 = vector.load %arg6[%swap3A_617, %swap3A_618, %swap3A_619] : memref<8x128x3136xbf16, #tpu.memory_space<vmem>>, vector<1x128x3136xbf16>
    %swap3A_621 = vector.shape_cast %swap3A_620 : vector<1x128x3136xbf16> to vector<128x3136xbf16>
    %swap3A_622 = vector.shape_cast %convert_element_type3A_616 : vector<128x3136xbf16> to vector<1x128x3136xbf16>
    tpu.vector_store %arg6[%swap3A_617, %swap3A_618, %swap3A_619], %swap3A_622 {strides = array<i32>} : memref<8x128x3136xbf16, #tpu.memory_space<vmem>>, vector<1x128x3136xbf16>,
    %get3A_623 = arith.constant 5 : index
    %get3A_624 = arith.constant 0 : index
    %get3A_625 = arith.constant 0 : index
    %get3A_626 = vector.load %arg2[%get3A_623, %get3A_624, %get3A_625] : memref<8x128x3136xf32, #tpu.memory_space<vmem>>, vector<1x128x3136xf32>
    %get3A_627 = vector.shape_cast %get3A_626 : vector<1x128x3136xf32> to vector<128x3136xf32>
    %convert_element_type3A_628 = arith.truncf %get3A_627 : vector<128x3136xf32> to vector<128x3136xbf16>
    %dot_general3A_629 = arith.constant dense<0.000000e+00> : vector<128x3136xf32>
    %dot_general3A_630 = tpu.matmul %convert_element_type3A_401, %convert_element_type3A_628, %dot_general3A_629 {dimension_numbers = #tpu.dot_dimension_numbers<[1], [0], [0], [1], [0, 0, 1, 1], [], []>, transpose_lhs_hint = false} : vector<128x128xbf16>, vector<128x3136xbf16>, vector<128x3136xf32> -> vector<128x3136xf32>
    %add3A_631 = vector.broadcast %add3A_400 : vector<128x1xf32> to vector<128x3136xf32>
    %add3A_632 = arith.addf %dot_general3A_630, %add3A_631 : vector<128x3136xf32>
    %convert_element_type3A_633 = arith.truncf %add3A_632 : vector<128x3136xf32> to vector<128x3136xbf16>
    %swap3A_634 = arith.constant 5 : index
    %swap3A_635 = arith.constant 0 : index
    %swap3A_636 = arith.constant 0 : index
    %swap3A_637 = vector.load %arg6[%swap3A_634, %swap3A_635, %swap3A_636] : memref<8x128x3136xbf16, #tpu.memory_space<vmem>>, vector<1x128x3136xbf16>
    %swap3A_638 = vector.shape_cast %swap3A_637 : vector<1x128x3136xbf16> to vector<128x3136xbf16>
    %swap3A_639 = vector.shape_cast %convert_element_type3A_633 : vector<128x3136xbf16> to vector<1x128x3136xbf16>
    tpu.vector_store %arg6[%swap3A_634, %swap3A_635, %swap3A_636], %swap3A_639 {strides = array<i32>} : memref<8x128x3136xbf16, #tpu.memory_space<vmem>>, vector<1x128x3136xbf16>,
    %get3A_640 = arith.constant 6 : index
    %get3A_641 = arith.constant 0 : index
    %get3A_642 = arith.constant 0 : index
    %get3A_643 = vector.load %arg2[%get3A_640, %get3A_641, %get3A_642] : memref<8x128x3136xf32, #tpu.memory_space<vmem>>, vector<1x128x3136xf32>
    %get3A_644 = vector.shape_cast %get3A_643 : vector<1x128x3136xf32> to vector<128x3136xf32>
    %convert_element_type3A_645 = arith.truncf %get3A_644 : vector<128x3136xf32> to vector<128x3136xbf16>
    %dot_general3A_646 = arith.constant dense<0.000000e+00> : vector<128x3136xf32>
    %dot_general3A_647 = tpu.matmul %convert_element_type3A_469, %convert_element_type3A_645, %dot_general3A_646 {dimension_numbers = #tpu.dot_dimension_numbers<[1], [0], [0], [1], [0, 0, 1, 1], [], []>, transpose_lhs_hint = false} : vector<128x128xbf16>, vector<128x3136xbf16>, vector<128x3136xf32> -> vector<128x3136xf32>
    %add3A_648 = vector.broadcast %add3A_468 : vector<128x1xf32> to vector<128x3136xf32>
    %add3A_649 = arith.addf %dot_general3A_647, %add3A_648 : vector<128x3136xf32>
    %convert_element_type3A_650 = arith.truncf %add3A_649 : vector<128x3136xf32> to vector<128x3136xbf16>
    %swap3A_651 = arith.constant 6 : index
    %swap3A_652 = arith.constant 0 : index
    %swap3A_653 = arith.constant 0 : index
    %swap3A_654 = vector.load %arg6[%swap3A_651, %swap3A_652, %swap3A_653] : memref<8x128x3136xbf16, #tpu.memory_space<vmem>>, vector<1x128x3136xbf16>
    %swap3A_655 = vector.shape_cast %swap3A_654 : vector<1x128x3136xbf16> to vector<128x3136xbf16>
    %swap3A_656 = vector.shape_cast %convert_element_type3A_650 : vector<128x3136xbf16> to vector<1x128x3136xbf16>
    tpu.vector_store %arg6[%swap3A_651, %swap3A_652, %swap3A_653], %swap3A_656 {strides = array<i32>} : memref<8x128x3136xbf16, #tpu.memory_space<vmem>>, vector<1x128x3136xbf16>,
    %get3A_657 = arith.constant 7 : index
    %get3A_658 = arith.constant 0 : index
    %get3A_659 = arith.constant 0 : index
    %get3A_660 = vector.load %arg2[%get3A_657, %get3A_658, %get3A_659] : memref<8x128x3136xf32, #tpu.memory_space<vmem>>, vector<1x128x3136xf32>
    %get3A_661 = vector.shape_cast %get3A_660 : vector<1x128x3136xf32> to vector<128x3136xf32>
    %convert_element_type3A_662 = arith.truncf %get3A_661 : vector<128x3136xf32> to vector<128x3136xbf16>
    %dot_general3A_663 = arith.constant dense<0.000000e+00> : vector<128x3136xf32>
    %dot_general3A_664 = tpu.matmul %convert_element_type3A_537, %convert_element_type3A_662, %dot_general3A_663 {dimension_numbers = #tpu.dot_dimension_numbers<[1], [0], [0], [1], [0, 0, 1, 1], [], []>, transpose_lhs_hint = false} : vector<128x128xbf16>, vector<128x3136xbf16>, vector<128x3136xf32> -> vector<128x3136xf32>
    %add3A_665 = vector.broadcast %add3A_536 : vector<128x1xf32> to vector<128x3136xf32>
    %add3A_666 = arith.addf %dot_general3A_664, %add3A_665 : vector<128x3136xf32>
    %convert_element_type3A_667 = arith.truncf %add3A_666 : vector<128x3136xf32> to vector<128x3136xbf16>
    %swap3A_668 = arith.constant 7 : index
    %swap3A_669 = arith.constant 0 : index
    %swap3A_670 = arith.constant 0 : index
    %swap3A_671 = vector.load %arg6[%swap3A_668, %swap3A_669, %swap3A_670] : memref<8x128x3136xbf16, #tpu.memory_space<vmem>>, vector<1x128x3136xbf16>
    %swap3A_672 = vector.shape_cast %swap3A_671 : vector<1x128x3136xbf16> to vector<128x3136xbf16>
    %swap3A_673 = vector.shape_cast %convert_element_type3A_667 : vector<128x3136xbf16> to vector<1x128x3136xbf16>
    tpu.vector_store %arg6[%swap3A_668, %swap3A_669, %swap3A_670], %swap3A_673 {strides = array<i32>} : memref<8x128x3136xbf16, #tpu.memory_space<vmem>>, vector<1x128x3136xbf16>,
    return
  }
  func.func @transform_0(%arg0: i32) -> i32 {
    %c0_i32 = arith.constant 0 : i32
    %c0_i32_0 = arith.constant 0 : i32
    return %c0_i32 : i32
  }
  func.func @transform_1(%arg0: i32) -> (i32, i32, i32) {
    %c0_i32 = arith.constant 0 : i32
    %c0_i32_0 = arith.constant 0 : i32
    %c0_i32_1 = arith.constant 0 : i32
    return %arg0, %c0_i32, %c0_i32_0 : i32, i32, i32
  }
  func.func @transform_2(%arg0: i32) -> (i32, i32, i32) {
    %c0_i32 = arith.constant 0 : i32
    %c0_i32_0 = arith.constant 0 : i32
    %c0_i32_1 = arith.constant 0 : i32
    %c0_i32_2 = arith.constant 0 : i32
    return %c0_i32, %c0_i32_0, %c0_i32_1 : i32, i32, i32
  }
  func.func @transform_3(%arg0: i32) -> (i32, i32, i32) {
    %c0_i32 = arith.constant 0 : i32
    %c0_i32_0 = arith.constant 0 : i32
    %c0_i32_1 = arith.constant 0 : i32
    %c0_i32_2 = arith.constant 0 : i32
    return %c0_i32, %c0_i32_0, %c0_i32_1 : i32, i32, i32
  }
  func.func @transform_4(%arg0: i32) -> (i32, i32, i32) {
    %c0_i32 = arith.constant 0 : i32
    %c0_i32_0 = arith.constant 0 : i32
    %c0_i32_1 = arith.constant 0 : i32
    %c0_i32_2 = arith.constant 0 : i32
    return %c0_i32, %c0_i32_0, %c0_i32_1 : i32, i32, i32
  }
  func.func @transform_5(%arg0: i32) -> (i32, i32, i32) {
    %c0_i32 = arith.constant 0 : i32
    %c0_i32_0 = arith.constant 0 : i32
    %c0_i32_1 = arith.constant 0 : i32
    return %arg0, %c0_i32, %c0_i32_0 : i32, i32, i32
  }
  func.func @transform_6(%arg0: i32) -> (i32, i32, i32) {
    %c0_i32 = arith.constant 0 : i32
    %c0_i32_0 = arith.constant 0 : i32
    %c0_i32_1 = arith.constant 0 : i32
    return %arg0, %c0_i32, %c0_i32_0 : i32, i32, i32
  }
}

</mosaic_0001>

<sc_bundles>
// kernel: kernel.5.cloned.1.call-start
scs
__scs_entry_jumppad:
0x0: {  	(pc) =	sbr.rel $0x88, $3  }
0x1: {  	(tag) =	ssettag $0x0;
	lr =	simm.s32 $0x1  }
0x2: {  	[smem:$0x3F9B] =	sst lr;
	_ =	strace $0xD0000000  }
0x3: {  	_ = 	snop  }
0x4: {  	_ = 	snop  }
0x5: {  	_ = 	snop  }
0x6: {  	_ = 	snop  }
0x7: {  	_ = 	snop  }
__scs_overlays_trampoline_lowered:
0x8: {  	[smem:$0x3FAA] =	sst s0  }
0x9: {  	[smem:$0x3FAB] =	sst s1  }
0xa: {  	[smem:$0x3FAC] =	sst s2  }
0xb: {  	[smem:$0x3FAD] =	sst s3  }
0xc: {  	[smem:$0x3FAE] =	sst s4  }
0xd: {  	[smem:$0x3FAF] =	sst s5  }
0xe: {  	[smem:$0x3FB0] =	sst s6  }
0xf: {  	[smem:$0x3FB1] =	sst s7  }
0x10: {  	[smem:$0x3FB2] =	sst s8  }
0x11: {  	[smem:$0x3FB3] =	sst s9;
	s0 =	simm.s32 @!p0 $0x0  }
0x12: {  	s1 =	sld [smem:$0x3F99];
	s0 =	simm.s32 @p0 $0x1  }
0x13: {  	[smem:$0x3FB4] =	sst s0;
	s0 =	simm.s32 @!p1 $0x0  }
0x14: {  	s2 =	sld [smem:$0x3F98];
	s0 =	simm.s32 @p1 $0x1  }
0x15: {  	[smem:$0x3FB5] =	sst s0;
	s0 =	simm.s32 @!p2 $0x0  }
0x16: {  	s3 =	sld [smem:$0x3FDB];
	s0 =	simm.s32 @p2 $0x1  }
0x17: {  	s4 =	simm.s32 $0x1BF5;
	[smem:$0x3FB7] =	sst s0  }
0x18: {  	s0 =	sld [smem:$0x3F9A];
	_ =	swait.ge [sflag:s4], $0x0  }
0x19: {  	s7 =	sld [smem:$0x3F9B]  }
0x1a: {  	s8 =	sadd.s32 $0xFFFFE003, lr  }
0x1b: {  	s9 =	sadd.s32 $0xFFFFFEF7, lr;
	s5 =	simm.s32 $0xFFFFFFFF;
	p2 =	slt.u32 s8, $0xFFFFF086  }
0x1c: {  	p1 =	slt.u32 s9, $0xF7A;
	s5 =	simm.s32 @!p2 $0x0  }
0x1d: {  	s5 =	simm.s32 @p1 $0x1;
	p0 =	seq.s32 s7, s2  }
0x1e: {  	s7 =	smul.u32 @!p0 $0xF7A, s2;
	p2 =	seq.s32 @!p0 s5, $0x0  }
0x1f: {  	s9 =	smul.u32 $0xF7A, s1;
	s8 =	simm.s32 @!p0 $0x1BF5;
	p2 =	por !p2, p0  }
0x20: {  	[sflag:s8] =	ssyncset.s32 @!p0 $0xFFFFF086;
	s6 =	sadd.s32 @!p0 s3, s7;
	s7 =	simm.s32 @!p0 $0x108  }
0x21: {  	s3 =	sadd.s32 s3, s9;
	s6 =	sadd.s32 @!p0 $0x88, s6;
	s7 =	simm.s32 @p2 $0x1082  }
0x22: {  	[simem:s7], [sflag:s8] =	dma.local @!p0 [hbm:s6], $0xF7A  }
0x23: {  	s9 =	sor.u32 $0xD0000000, s2;
	s6 =	simm.s32 $0x108;
	_ =	swait.ge @!p0 [sflag:s8], $0x0  }
0x24: {  	s3 =	sadd.s32 $0x88, s3;
	s6 =	simm.s32 @!p1 $0x1082;
	[sflag:s4] =	ssyncset.s32 $0xFFFFF086  }
0x25: {  	[simem:s6], [sflag:s4] =	dma.local [hbm:s3], $0xF7A  }
0x26: {  	[smem:$0x3F9B] =	sst s1;
	(tag) =	ssettag s2;
	_ =	strace s9  }
0x27: {  	s1 =	sld [smem:$0x3FAB]  }
0x28: {  	s2 =	sld [smem:$0x3FAC]  }
0x29: {  	s4 =	sld [smem:$0x3FAE]  }
0x2a: {  	p0 =	seq.s32 s5, $0x0;
	s5 =	sld [smem:$0x3FAF]  }
0x2b: {  	s6 =	sld [smem:$0x3FB0]  }
0x2c: {  	s7 =	sld [smem:$0x3FB1]  }
0x2d: {  	s3 =	simm.s32 $0x108;
	s8 =	sld [smem:$0x3FB2]  }
0x2e: {  	s3 =	simm.s32 @!p0 $0x1082;
	s9 =	sld [smem:$0x3FB3]  }
0x2f: {  	lr =	sadd.s32 s0, s3;
	s0 =	sld [smem:$0x3FAA]  }
0x30: {  	s3 =	sld [smem:$0x3FAD]  }
0x31: {  	[smem:$0x3FB6] =	sst s10  }
0x32: {  	s10 =	sld [smem:$0x3FB4];
	_ =	sdelay $0x3  }
0x33: {  	p0 =	seq.s32 s10, $0x1;
	s10 =	sld [smem:$0x3FB6];
	_ =	sdelay $0x3  }
0x34: {  	[smem:$0x3FB6] =	sst s10  }
0x35: {  	s10 =	sld [smem:$0x3FB5];
	_ =	sdelay $0x3  }
0x36: {  	p1 =	seq.s32 s10, $0x1;
	s10 =	sld [smem:$0x3FB6];
	_ =	sdelay $0x3  }
0x37: {  	[smem:$0x3FB6] =	sst s10  }
0x38: {  	s10 =	sld [smem:$0x3FB7]  }
0x39: {  	_ = 	snop;
	(pc) =	sbr.ind lr, $3  }
0x3a: {  	_ = 	snop  }
0x3b: {  	_ = 	snop  }
0x3c: {  	p2 =	seq.s32 s10, $0x1;
	s10 =	sld [smem:$0x3FB6]  }
0x3d: {  	_ =	shalt  }
0x3e: {  	_ =	shalt  }
0x3f: {  	_ =	shalt  }
0x40: {  	_ =	shalt  }
0x41: {  	_ =	shalt  }
0x42: {  	_ =	shalt  }
0x43: {  	_ =	shalt  }
0x44: {  	_ =	shalt  }
0x45: {  	_ =	shalt  }
0x46: {  	_ =	shalt  }
0x47: {  	_ =	shalt  }
0x48: {  	_ =	shalt  }
0x49: {  	_ =	shalt  }
0x4a: {  	_ =	shalt  }
0x4b: {  	_ =	shalt  }
0x4c: {  	_ =	shalt  }
0x4d: {  	_ =	shalt  }
0x4e: {  	_ =	shalt  }
0x4f: {  	_ =	shalt  }
0x50: {  	_ =	shalt  }
0x51: {  	_ =	shalt  }
0x52: {  	_ =	shalt  }
0x53: {  	_ =	shalt  }
0x54: {  	_ =	shalt  }
0x55: {  	_ =	shalt  }
0x56: {  	_ =	shalt  }
0x57: {  	_ =	shalt  }
0x58: {  	_ =	shalt  }
0x59: {  	_ =	shalt  }
0x5a: {  	_ =	shalt  }
0x5b: {  	_ =	shalt  }
0x5c: {  	_ =	shalt  }
0x5d: {  	_ =	shalt  }
0x5e: {  	_ =	shalt  }
0x5f: {  	_ =	shalt  }
0x60: {  	_ =	shalt  }
0x61: {  	_ =	shalt  }
0x62: {  	_ =	shalt  }
0x63: {  	_ =	shalt  }
0x64: {  	_ =	shalt  }
0x65: {  	_ =	shalt  }
0x66: {  	_ =	shalt  }
0x67: {  	_ =	shalt  }
0x68: {  	_ =	shalt  }
0x69: {  	_ =	shalt  }
0x6a: {  	_ =	shalt  }
0x6b: {  	_ =	shalt  }
0x6c: {  	_ =	shalt  }
0x6d: {  	_ =	shalt  }
0x6e: {  	_ =	shalt  }
0x6f: {  	_ =	shalt  }
0x70: {  	_ =	shalt  }
0x71: {  	_ =	shalt  }
0x72: {  	_ =	shalt  }
0x73: {  	_ =	shalt  }
0x74: {  	_ =	shalt  }
0x75: {  	_ =	shalt  }
0x76: {  	_ =	shalt  }
0x77: {  	_ =	shalt  }
0x78: {  	_ =	shalt  }
0x79: {  	_ =	shalt  }
0x7a: {  	_ =	shalt  }
0x7b: {  	_ =	shalt  }
0x7c: {  	_ =	shalt  }
0x7d: {  	_ =	shalt  }
0x7e: {  	_ =	shalt  }
0x7f: {  	_ =	shalt  }
0x80: {  	_ =	shalt  }
0x81: {  	_ =	shalt  }
0x82: {  	_ =	shalt  }
0x83: {  	_ =	shalt  }
0x84: {  	_ =	shalt  }
0x85: {  	_ =	shalt  }
0x86: {  	_ =	shalt  }
0x87: {  	_ =	shalt  }
.Lfunc_end0:
.L_simem_size_0:
called_computation_lowered:
.L_overlay_start_0:
0x88: {  	s2 =	sld [smem:$0x3FD9]  }
0x89: {  	s3 =	sld [smem:$0x3FFE];
	_ =	sdelay $0x1  }
0x8a: {  	s1 =	srdreg.scid  }
0x8b: {  	s0 =	sand.u32 $0x1, s1  }
0x8c: {  	s15 =	sshll.u32 s0, $0xA;
	s2 =	sadd.s32 s3, s2  }
0x8d: {  	s2 =	sadd.s32 s2, s15  }
0x8e: {  	[smem:$0x3FC2] =	sst s2  }
0x8f: {  	_ = 	snop  }
0x90: {  	s2 =	sld [smem:$0x3FD0];
	_ =	sdelay $0x2  }
0x91: {  	s4 =	simm.s32 $0xA;
	s5 =	simm.s32 $0x10;
	s16 =	sld [smem:$0x3FC6]  }
0x92: {  	[smem:s5], [sflag:s4] =	dma.local [hbm:s2], $0x1  }
0x93: {  	_ =	swait.eq [sflag:s4], $0x1  }
0x94: {  	[sflag:s4] =	ssyncset.done $0x0  }
0x95: {  	s17 =	sld [smem:$0x10];
	[sflag:s4] =	ssyncadd.s32 $0xFFFFFFFF  }
0x96: {  	s18 =	sld [smem:$0x12];
	(tm) =	ssettm $0x1  }
0x97: {  	s19 =	sld [smem:$0x3FFB];
	_ =	sdelay $0x3  }
0x98: {  	_ =	strace s19  }
0x99: {  	s5 =	sld [smem:$0x3FFC];
	_ =	sdelay $0x3  }
0x9a: {  	_ =	strace s5  }
0x9b: {  	s5 =	sld [smem:$0x3FFD];
	_ =	sdelay $0x3  }
0x9c: {  	_ =	strace s5  }
0x9d: {  	_ =	strace $0x8FFFFFFF  }
0x9e: {  	s20 =	sld [smem:$0x3FDB];
	_ =	sdelay $0x1  }
0x9f: {  	s6 =	simm.s32 $_scs_section_size  }
0xa0: {  	s7 =	simm.s32 $_size__tile_overlayer_lowered;
	s8 =	simm.s32 $_tile_overlayer_lowered  }
0xa1: {  	s23 =	simm.s32 $0x1BFF;
	s22 =	sshll.u32 s8, $0x1;
	s5 =	sadd.s32 s6, s20  }
0xa2: {  	s9 =	simm.s32 $0x0;
	s21 =	sshll.u32 s7, $0x1;
	s7 =	sadd.s32 s22, s5  }
0xa3: {  	[timem:s9], [sflag:s23] =	dma.local [hbm:s7], s21  }
0xa4: {  	_ =	swait.ge [sflag:s23], s21  }
0xa5: {  	s6 =	ssub.s32 $0x0, s21;
	[sflag:s23] =	ssyncset.done $0x0  }
0xa6: {  	[sflag:s23] =	ssyncadd.s32 s6;
	_ =	sdelay $0x1  }
0xa7: {  	s24 =	simm.s32 $0x1B8B  }
0xa8: {  	_ =	swait.ge [sflag:s24], $0x1  }
0xa9: {  	[sflag:s24] =	ssyncset.done $0x0  }
0xaa: {  	s25 =	simm.s32 $0x1B8E;
	[sflag:s24] =	ssyncadd.s32 $0xFFFFFFFF  }
0xab: {  	s26 =	simm.s32 $execute0_lowered;
	[smem:$0x3FD2] =	sst s25  }
0xac: {  	s6 =	sshll.u32 s26, $0x1;
	_ =	strace $0x80000046;
	[dreg:$0x1] =	wrdreg $0xFFFFFFFF  }
0xad: {  	s28 =	simm.s32 $_size_execute0_lowered;
	s5 =	sadd.s32 s5, s6;
	[dreg:$0x0] =	wrdreg $0x0  }
0xae: {  	s6 =	sshll.u32 s28, $0x1;
	[dreg:$0x2] =	wrdreg s5  }
0xaf: {  	[dreg:$0x3] =	wrdreg s6  }
0xb0: {  	[dreg:$0x4] =	wrdreg $0xC0  }
0xb1: {  	_ =	task [dreg:s9], $0x5FFFF  }
0xb2: {  	[dreg:$0x1] =	wrdreg $0xFFFFFFFF  }
0xb3: {  	[dreg:$0x0] =	wrdreg $0x60  }
0xb4: {  	[dreg:$0x2] =	wrdreg s18  }
0xb5: {  	[dreg:$0x3] =	wrdreg s16  }
0xb6: {  	[dreg:$0x4] =	wrdreg s17  }
0xb7: {  	[dreg:$0x5] =	wrdreg $0x9  }
0xb8: {  	_ =	task.clear_ibuf [dreg:s9], $0x6FFFF;
	_ =	strace $0x90000046  }
0xb9: {  	s29 =	simm.s32 $0x9;
	_ =	strace $0x80000048  }
0xba: {  	_ =	swait.ge [sflag:s29], $0x1  }
0xbb: {  	[sflag:s29] =	ssyncadd.s32 $0xFFFFFFFF  }
0xbc: {  	_ =	strace $0x90000048  }
0xbd: {  	_ =	sfence  }
0xbe: {  	s30 =	sld [smem:$0x0];
	_ =	sdelay $0x2  }
0xbf: {  	s31 =	sshll.u32 s1, $0xD;
	s1 =	sshrl.u32 s1, $0x2  }
0xc0: {  	s3 =	sand.u32 $0x4000, s31;
	s1 =	sadd.s32 s1, s30  }
0xc1: {  	s0 =	sor.u32 s3, s0;
	s1 =	sshll.u32 s1, $0x11  }
0xc2: {  	s0 =	sor.u32 s1, s0  }
0xc3: {  	s0 =	sadd.s32 $0x8F2B, s0  }
0xc4: {  	[sflag:s0] =	ssyncadd.remote.s32 $0x1  }
0xc5: {  	_ =	sfence.sel $0xFFFF  }
0xc6: {  	[dreg:$0x0] =	wrdreg $0xFFFFFFFF;
	(pc) =	sbr.abs _section_cstart, $3  }
0xc7: {  	[dreg:$0x1] =	wrdreg $0xFFFFFFFF  }
0xc8: {  	_ =	task.clear_ibuf [dreg:s9], $0x2FFFF;
	_ =	strace $0x9FFFFFFF  }
0xc9: {  	(tm) =	ssettm $0x7FFFFFFF  }
tec
execute0_lowered:
.L_overlay_start_1:
0x0: {  	(tag) =	ssettag $0x1  }
0x1: {  	v0 =	vimm.s32 $0xFEDCBA9  }
0x2: {  	v1 =	vimm.s32 $0x87654321;
	v2 =	vimm.s32 $0x10FEDCBA;
	v3 =	vimm.s32 $0x98765432  }
0x3: {  	v4 =	vimm.s32 $0x3210FEDC;
	v5 =	vimm.s32 $0xBA987654;
	v6 =	vimm.s32 $0xFEDCBA98  }
0x4: {  	s4 =	rddreg [dreg:$0x0];
	v7 =	vimm.s32 $0x76543210;
	v0 =	vunpack.c.l.s4.s8 v0;
	v1 =	vunpack.c.l.s4.s8 v1  }
0x5: {  	s0 =	rddreg [dreg:$0x1];
	v2 =	vunpack.c.l.s4.s8 v2;
	v3 =	vunpack.c.l.s4.s8 v3;
	v4 =	vunpack.c.l.s4.s8 v4  }
0x6: {  	s5 =	rddreg [dreg:$0x2];
	s3 =	srdreg.scid;
	v5 =	vunpack.c.l.s4.s8 v5;
	v6 =	vunpack.c.l.s4.s8 v6;
	v0 =	vunpack.c.0.s8.s32 v0  }
0x7: {  	s1 =	rddreg [dreg:$0x3];
	s2 =	simm.s32 $0x0;
	s6 =	sand.u32 $0x1, s3;
	v1 =	vunpack.c.0.s8.s32 v1;
	v2 =	vunpack.c.0.s8.s32 v2;
	v3 =	vunpack.c.0.s8.s32 v3  }
0x8: {  	[smem:$0x7FF] =	sst s2;
	s3 =	stileid.u32;
	v7 =	vunpack.c.l.s4.s8 v7;
	s7 =	ssub.s32 $0x2, s6;
	v4 =	vunpack.c.0.s8.s32 v4;
	v5 =	vunpack.c.0.s8.s32 v5  }
0x9: {  	s9 =	sshll.u32 s3, $0x5;
	s6 =	sshll.u32 s6, $0x4;
	_ =	strace $0x80000047;
	v0 =	vcombine.low v1, v0;
	v1 =	vcombine.low v3, v2;
	v2 =	vunpack.c.0.s8.s32 v6  }
0xa: {  	s8 =	sshrl.u32 s7, $0x1;
	s6 =	sor.u32 s6, s9;
	s9 =	simm.s32 $0x480;
	v3 =	vcombine.low v5, v4;
	v4 =	vunpack.c.0.s8.s32 v7  }
0xb: {  	s7 =	ssub.s32 s7, s8;
	s4 =	sadd.s32 s4, s6;
	s5 =	sadd.s32 s5, s6;
	v0 =	vand.u32 $0xF, v0;
	v1 =	vand.u32 $0xF, v1;
	v5 =	vand.u32 $0xF, v2  }
0xc: {  	s8 =	simm.s32 $0x80;
	s6 =	smax.u32 s7, $0x1;
	s7 =	simm.s32 $0x1;
	v2 =	vand.u32 $0xF, v3;
	v3 =	vcombine.low v5, v4;
	v4 =	vimm.s32 $0x0  }
.LBB2_1:
0xd: {  	[tilespmem:s2], [sflag:$0x1] =	stream.linear.gather [hbm4b:s4+s2], $0x80, $0x38;
	[tilespmem:$0x500] =	vst v63  }
0xe: {  	_ =	swait.ge [sflag:s7], $0x80  }
0xf: {  	[sflag:s7] =	ssyncset.done $0x0  }
0x10: {  	[sflag:s7] =	ssyncadd.s32 $0xFFFFFF80  }
0x11: {  	[tilespmem:s8], [sflag:$0x1] =	stream.linear.gather [hbm4b:s0+s2], $0x400, $0x38;
	[tilespmem:$0x500] =	vst v63  }
0x12: {  	_ =	swait.ge [sflag:s7], $0x400  }
0x13: {  	[sflag:s7] =	ssyncset.done $0x0  }
0x14: {  	[sflag:s7] =	ssyncadd.s32 $0xFFFFFC00  }
0x15: {  	v11 =	vld [tilespmem:$0x0]  }
0x16: {  	v5 =	vld [tilespmem:$0x80]  }
0x17: {  	v12 =	vld [tilespmem:$0x10]  }
0x18: {  	v7 =	vld [tilespmem:$0x90]  }
0x19: {  	v10 =	vld [tilespmem:$0x20]  }
0x1a: {  	v13 =	vld [tilespmem:$0xA0]  }
0x1b: {  	v9 =	vld [tilespmem:$0x30]  }
0x1c: {  	v14 =	vld [tilespmem:$0xB0]  }
0x1d: {  	v8 =	vld [tilespmem:$0x40]  }
0x1e: {  	v15 =	vld [tilespmem:$0xC0]  }
0x1f: {  	v6 =	vld [tilespmem:$0x50]  }
0x20: {  	v17 =	vld [tilespmem:$0xD0]  }
0x21: {  	v18 =	vld [tilespmem:$0xE0]  }
0x22: {  	v19 =	vld [tilespmem:$0x100]  }
0x23: {  	v20 =	vld [tilespmem:$0x110]  }
0x24: {  	v56 =	vld [tilespmem:$0x120]  }
0x25: {  	v21 =	vld [tilespmem:$0xF0]  }
0x26: {  	v59 =	vld [tilespmem:$0x130]  }
0x27: {  	v62 =	vld [tilespmem:$0x140]  }
0x28: {  	v22 =	vld [tilespmem:$0x150];
	v16 =	vsub.f32 v11, v5  }
0x29: {  	v33 =	vld [tilespmem:$0x1B0];
	v7 =	vsub.f32 v12, v7;
	v13 =	vsub.f32 v10, v13  }
0x2a: {  	v46 =	vld [tilespmem:$0x230];
	v14 =	vsub.f32 v9, v14;
	v15 =	vsub.f32 v8, v15  }
0x2b: {  	v26 =	vld [tilespmem:$0x190];
	v58 =	vsub.f32 v6, v17;
	v19 =	vsub.f32 v11, v19  }
0x2c: {  	v28 =	vld [tilespmem:$0x160];
	v20 =	vsub.f32 v12, v20;
	v17 =	vsub.f32 v9, v59  }
0x2d: {  	v5 =	vld [tilespmem:$0x60];
	v32 =	vsub.f32 v6, v22;
	v16 =	vmul.f32 v16, v16;
	v7 =	vmul.f32 v7, v7  }
0x2e: {  	v55 =	vld [tilespmem:$0x260];
	v37 =	vsub.f32 v9, v33;
	v13 =	vmul.f32 v13, v13;
	v14 =	vmul.f32 v14, v14  }
0x2f: {  	v25 =	vld [tilespmem:$0x180];
	v52 =	vsub.f32 v9, v46;
	v19 =	vmul.f32 v19, v19;
	v20 =	vmul.f32 v20, v20  }
0x30: {  	v35 =	vld [tilespmem:$0x1C0];
	v57 =	vmul.f32 v15, v15;
	v60 =	vmul.f32 v58, v58;
	v16 =	vadd.f32 v7, v16  }
0x31: {  	v17 =	vmul.f32 v17, v17;
	v7 =	vld [tilespmem:$0x70];
	v19 =	vadd.f32 v20, v19;
	v20 =	vsub.f32 v12, v26  }
0x32: {  	v30 =	vld [tilespmem:$0x170];
	v34 =	vmul.f32 v32, v32;
	v61 =	vsub.f32 v5, v18;
	v18 =	vsub.f32 v8, v62  }
0x33: {  	v41 =	vld [tilespmem:$0x1F0];
	v40 =	vmul.f32 v37, v37;
	v15 =	vsub.f32 v5, v28;
	v62 =	vsub.f32 v5, v55  }
0x34: {  	v29 =	vld [tilespmem:$0x1A0];
	v13 =	vadd.f32 v13, v16;
	v16 =	vsub.f32 v10, v56;
	v20 =	vmul.f32 v20, v20  }
0x35: {  	v26 =	vld [tilespmem:$0x320];
	v56 =	vmul.f32 v52, v52;
	v31 =	vmul.f32 v18, v18;
	v18 =	vsub.f32 v8, v35  }
0x36: {  	v63 =	vmul.f32 v61, v61;
	v13 =	vadd.f32 v14, v13;
	v24 =	vsub.f32 v7, v21  }
0x37: {  	v36 =	vld [tilespmem:$0x1D0];
	v16 =	vmul.f32 v16, v16;
	v21 =	vsub.f32 v11, v25;
	v14 =	vsub.f32 v7, v30  }
0x38: {  	v43 =	vld [tilespmem:$0x210];
	v15 =	vmul.f32 v15, v15;
	v45 =	vsub.f32 v7, v41;
	v13 =	vadd.f32 v57, v13  }
0x39: {  	v16 =	vadd.f32 v16, v19;
	v19 =	vsub.f32 v10, v29;
	v57 =	vld [tilespmem:$0x270];
	v21 =	vmul.f32 v21, v21  }
0x3a: {  	v26 =	vsub.f32 v10, v26;
	v48 =	vmul.f32 v45, v45;
	v13 =	vadd.f32 v60, v13  }
0x3b: {  	v45 =	vld [tilespmem:$0x380];
	v16 =	vadd.f32 v17, v16;
	v19 =	vmul.f32 v19, v19;
	v20 =	vadd.f32 v20, v21  }
0x3c: {  	v39 =	vld [tilespmem:$0x1E0];
	v18 =	vmul.f32 v18, v18;
	v17 =	vsub.f32 v6, v36;
	v13 =	vadd.f32 v63, v13  }
0x3d: {  	v44 =	vld [tilespmem:$0x220];
	v27 =	vmul.f32 v24, v24;
	v16 =	vadd.f32 v31, v16;
	v19 =	vadd.f32 v19, v20  }
0x3e: {  	v30 =	vmul.f32 v62, v62;
	v20 =	vsub.f32 v12, v43;
	v31 =	vsub.f32 v7, v57  }
0x3f: {  	v42 =	vld [tilespmem:$0x200];
	v14 =	vmul.f32 v14, v14;
	v13 =	vadd.f32 v27, v13;
	v16 =	vadd.f32 v34, v16  }
0x40: {  	v49 =	vld [tilespmem:$0x240];
	v17 =	vmul.f32 v17, v17;
	v55 =	vsub.f32 v11, v45;
	v19 =	vadd.f32 v40, v19  }
0x41: {  	v27 =	vld [tilespmem:$0x2E0];
	v38 =	vperm.xlane v13, v0;
	v15 =	vadd.f32 v15, v16;
	v16 =	vsub.f32 v5, v39  }
0x42: {  	v51 =	vld [tilespmem:$0x250];
	v20 =	vmul.f32 v20, v20;
	v18 =	vadd.f32 v18, v19;
	v19 =	vsub.f32 v10, v44  }
0x43: {  	v58 =	vld [tilespmem:$0x280];
	v34 =	vmul.f32 v31, v31;
	v13 =	vadd.f32 v13, v38;
	v14 =	vadd.f32 v14, v15  }
0x44: {  	v32 =	vld [tilespmem:$0x300];
	v16 =	vmul.f32 v16, v16;
	v15 =	vsub.f32 v11, v42;
	v42 =	vmul.f32 v26, v26  }
0x45: {  	v63 =	vld [tilespmem:$0x2A0];
	v26 =	vmul.f32 v55, v55;
	v17 =	vadd.f32 v17, v18;
	v18 =	vsub.f32 v8, v49  }
0x46: {  	v44 =	vsub.f32 v5, v27;
	v22 =	vperm.xlane v13, v1;
	v23 =	vperm.xlane v14, v0  }
0x47: {  	v59 =	vld [tilespmem:$0x290];
	v15 =	vmul.f32 v15, v15;
	v16 =	vadd.f32 v16, v17;
	v17 =	vsub.f32 v6, v51  }
0x48: {  	v38 =	vld [tilespmem:$0x330];
	v19 =	vmul.f32 v19, v19;
	v13 =	vadd.f32 v13, v22;
	v14 =	vadd.f32 v14, v23  }
0x49: {  	v18 =	vmul.f32 v18, v18;
	v15 =	vadd.f32 v20, v15;
	v22 =	vsub.f32 v11, v58  }
0x4a: {  	v33 =	vld [tilespmem:$0x310];
	v23 =	vsub.f32 v10, v63;
	v20 =	vsub.f32 v11, v32;
	v17 =	vmul.f32 v17, v17  }
0x4b: {  	v35 =	vld [tilespmem:$0x2C0];
	v16 =	vadd.f32 v48, v16;
	v47 =	vperm.xlane v14, v1;
	v50 =	vperm.xlane v13, v2  }
0x4c: {  	v40 =	vld [tilespmem:$0x340];
	v15 =	vadd.f32 v19, v15;
	v19 =	vsub.f32 v12, v59;
	v22 =	vmul.f32 v22, v22  }
0x4d: {  	v31 =	vld [tilespmem:$0x3E0];
	v37 =	vmul.f32 v23, v23;
	v23 =	vsub.f32 v9, v38;
	v54 =	vperm.xlane v16, v0  }
0x4e: {  	v29 =	vld [tilespmem:$0x2B0];
	v14 =	vadd.f32 v14, v47;
	v15 =	vadd.f32 v56, v15;
	v19 =	vmul.f32 v19, v19  }
0x4f: {  	v36 =	vld [tilespmem:$0x2D0];
	v20 =	vmul.f32 v20, v20;
	v13 =	vadd.f32 v13, v50;
	v16 =	vadd.f32 v16, v54  }
0x50: {  	v43 =	vld [tilespmem:$0x360];
	v53 =	vperm.xlane v14, v2;
	v15 =	vadd.f32 v18, v15;
	v19 =	vadd.f32 v19, v22  }
0x51: {  	v59 =	vld [tilespmem:$0x420];
	v24 =	vperm.xlane v13, v3;
	v18 =	vsub.f32 v8, v35;
	v22 =	vsub.f32 v8, v40  }
0x52: {  	v23 =	vmul.f32 v23, v23;
	v50 =	vld [tilespmem:$0x3A0];
	v35 =	vsub.f32 v5, v31;
	v21 =	vadd.f32 v14, v53  }
0x53: {  	v47 =	vmul.f32 v44, v44;
	v14 =	vadd.f32 v13, v24;
	v15 =	vadd.f32 v17, v15  }
0x54: {  	v54 =	vld [tilespmem:$0x400];
	v61 =	vperm.xlane v16, v1;
	v24 =	vsub.f32 v12, v33;
	v19 =	vadd.f32 v37, v19  }
0x55: {  	v18 =	vmul.f32 v18, v18;
	v17 =	vsub.f32 v6, v36;
	v53 =	vsub.f32 v5, v43  }
0x56: {  	v46 =	vld [tilespmem:$0x390];
	v49 =	vmul.f32 v22, v22;
	v28 =	vadd.f32 v16, v61;
	v16 =	vsub.f32 v9, v29  }
0x57: {  	v56 =	vld [tilespmem:$0x410];
	v22 =	vsub.f32 v10, v50;
	v10 =	vsub.f32 v10, v59;
	v60 =	vperm.xlane v21, v3  }
0x58: {  	v41 =	vld [tilespmem:$0x350];
	v15 =	vadd.f32 v30, v15;
	v24 =	vmul.f32 v24, v24;
	v17 =	vmul.f32 v17, v17  }
0x59: {  	v37 =	vld [tilespmem:$0x460];
	v57 =	vmul.f32 v53, v53;
	v11 =	vsub.f32 v11, v54;
	vm0 =	vlt.f32 v14, $3.399999950e+38  }
0x5a: {  	v29 =	vld [tilespmem:$0x370];
	v25 =	vperm.xlane v28, v2;
	v16 =	vmul.f32 v16, v16;
	v21 =	vadd.f32 v21, v60  }
0x5b: {  	v22 =	vmul.f32 v22, v22;
	v15 =	vadd.f32 v34, v15;
	v20 =	vadd.f32 v24, v20  }
0x5c: {  	v52 =	vld [tilespmem:$0x3B0];
	v10 =	vmul.f32 v10, v10;
	v24 =	vsub.f32 v12, v46;
	v12 =	vsub.f32 v12, v56  }
0x5d: {  	v58 =	vld [tilespmem:$0x3C0];
	v14 =	vnsel vm0, $0x7F7FC99E, v14;
	v13 =	vadd.f32 v28, v25;
	v16 =	vadd.f32 v16, v19  }
0x5e: {  	v63 =	vld [tilespmem:$0x430];
	v19 =	vsub.f32 v6, v41;
	v5 =	vsub.f32 v5, v37;
	v39 =	vperm.xlane v15, v0  }
0x5f: {  	v32 =	vld [tilespmem:$0x440];
	v20 =	vadd.f32 v42, v20;
	v24 =	vmul.f32 v24, v24;
	v34 =	vsub.f32 v7, v29  }
0x60: {  	v11 =	vmul.f32 v11, v11;
	v16 =	vadd.f32 v18, v16;
	v15 =	vadd.f32 v15, v39  }
0x61: {  	v28 =	vld [tilespmem:$0x2F0];
	v12 =	vmul.f32 v12, v12;
	v48 =	vadd.f32 v23, v20;
	v62 =	vadd.f32 v24, v26  }
0x62: {  	vm0 =	vlt.f32 v21, v14;
	v23 =	vsub.f32 v9, v52;
	v20 =	vsub.f32 v8, v58  }
0x63: {  	v36 =	vld [tilespmem:$0x3F0];
	v19 =	vmul.f32 v19, v19;
	v11 =	vadd.f32 v12, v11;
	v9 =	vsub.f32 v9, v63  }
0x64: {  	v61 =	vld [tilespmem:$0x3D0];
	v5 =	vmul.f32 v5, v5;
	v8 =	vsub.f32 v8, v32;
	v18 =	vadd.f32 v49, v48  }
0x65: {  	v38 =	vmul.f32 v34, v34;
	v39 =	vmul.f32 v35, v35;
	v16 =	vadd.f32 v17, v16  }
0x66: {  	v33 =	vld [tilespmem:$0x450];
	v51 =	vsub.f32 v7, v28;
	v30 =	vmul.f32 v23, v23;
	v18 =	vadd.f32 v19, v18  }
0x67: {  	v40 =	vld [tilespmem:$0x470];
	v20 =	vmul.f32 v20, v20;
	v10 =	vadd.f32 v10, v11;
	v19 =	vadd.f32 v22, v62  }
0x68: {  	v9 =	vmul.f32 v9, v9;
	v11 =	vsub.f32 v7, v36;
	v60 =	vadd.f32 v57, v18  }
0x69: {  	v8 =	vmul.f32 v8, v8;
	v19 =	vadd.f32 v30, v19;
	v18 =	vsub.f32 v6, v61  }
0x6a: {  	v16 =	vadd.f32 v47, v16;
	v17 =	vmul.f32 v51, v51;
	v9 =	vadd.f32 v9, v10  }
0x6b: {  	v6 =	vsub.f32 v6, v33;
	v19 =	vadd.f32 v20, v19;
	v18 =	vmul.f32 v18, v18  }
0x6c: {  	v43 =	vperm.xlane v15, v1;
	v7 =	vsub.f32 v7, v40;
	v16 =	vadd.f32 v17, v16  }
0x6d: {  	v8 =	vadd.f32 v8, v9;
	v6 =	vmul.f32 v6, v6;
	v18 =	vadd.f32 v18, v19  }
0x6e: {  	v48 =	vperm.xlane v13, v3;
	v10 =	vadd.f32 v38, v60;
	v44 =	vperm.xlane v16, v0  }
0x6f: {  	v11 =	vmul.f32 v11, v11;
	v6 =	vadd.f32 v6, v8;
	v41 =	vadd.f32 v39, v18  }
0x70: {  	v45 =	vadd.f32 v15, v43;
	v8 =	vadd.f32 v16, v44;
	v46 =	vperm.xlane v10, v0  }
0x71: {  	v5 =	vadd.f32 v5, v6;
	v6 =	vmul.f32 v7, v7;
	v11 =	vadd.f32 v11, v41  }
0x72: {  	v13 =	vadd.f32 v13, v48;
	v7 =	vperm.xlane v45, v2;
	v47 =	vperm.xlane v8, v1  }
0x73: {  	v10 =	vadd.f32 v10, v46;
	v5 =	vadd.f32 v6, v5;
	v6 =	vperm.xlane v11, v0  }
0x74: {  	v42 =	vsel vm0, v21, v14;
	v7 =	vadd.f32 v45, v7;
	v8 =	vadd.f32 v8, v47  }
0x75: {  	v49 =	vperm.xlane v10, v1;
	v50 =	vperm.xlane v5, v0;
	v6 =	vadd.f32 v11, v6  }
0x76: {  	vm1 =	vlt.f32 v13, v42;
	v51 =	vperm.xlane v7, v3;
	v15 =	vperm.xlane v8, v2  }
0x77: {  	v10 =	vadd.f32 v10, v49;
	v5 =	vadd.f32 v5, v50;
	v52 =	vperm.xlane v6, v1  }
0x78: {  	v9 =	vsel vm1, v13, v42;
	v7 =	vadd.f32 v7, v51;
	v8 =	vadd.f32 v8, v15  }
0x79: {  	v12 =	vperm.xlane v10, v2;
	v53 =	vperm.xlane v5, v1;
	v6 =	vadd.f32 v6, v52  }
0x7a: {  	vm2 =	vlt.f32 v7, v9;
	v54 =	vperm.xlane v8, v3  }
0x7b: {  	v10 =	vadd.f32 v10, v12;
	v5 =	vadd.f32 v5, v53;
	v55 =	vperm.xlane v6, v2  }
0x7c: {  	v7 =	vsel vm2, v7, v9;
	v8 =	vadd.f32 v8, v54  }
0x7d: {  	v56 =	vperm.xlane v10, v3;
	v11 =	vperm.xlane v5, v2;
	v6 =	vadd.f32 v6, v55  }
0x7e: {  	v57 =	vsel vm0, $0x1, v4;
	vm12 =	vlt.f32 v8, v7  }
0x7f: {  	v9 =	vadd.f32 v10, v56;
	v5 =	vadd.f32 v5, v11;
	v58 =	vperm.xlane v6, v3  }
0x80: {  	v59 =	vsel vm1, $0x2, v57;
	v7 =	vsel vm12, v8, v7  }
0x81: {  	vm13 =	vlt.f32 v9, v7;
	v60 =	vperm.xlane v5, v3;
	v6 =	vadd.f32 v6, v58  }
0x82: {  	v61 =	vsel vm2, $0x3, v59;
	v7 =	vsel vm13, v9, v7  }
0x83: {  	v62 =	vsel vm12, $0x4, v61;
	v5 =	vadd.f32 v5, v60;
	vm14 =	vlt.f32 v6, v7  }
0x84: {  	v63 =	vsel vm13, $0x5, v62;
	v6 =	vsel vm14, v6, v7  }
0x85: {  	v7 =	vsel vm14, $0x6, v63;
	vm15 =	vlt.f32 v5, v6  }
0x86: {  	p0 =	sne.s32 s6, $0x1;
	v5 =	vsel vm15, $0x7, v7  }
.Ltmp0:
0x87: {  	[tilespmem:$0x480] =	vst v5;
	(pc) =	sbr.rel @p0 .LBB2_1-.Ltmp0, $4  }
0x88: {  	[hbm4b:s5+s2] =	stream.linear.scatter [tilespmem:s9], [sflag:$0x1], $0x80, $0x38;
	[tilespmem:$0x500] =	vst v63  }
0x89: {  	_ =	swait.ge [sflag:s7], $0x80  }
0x8a: {  	[sflag:s7] =	ssyncset.done $0x0  }
0x8b: {  	s6 =	sadd.s32 $0xFFFFFFFF, s6;
	[sflag:s7] =	ssyncadd.s32 $0xFFFFFF80  }
0x8c: {  	_ =	sfence.sel $0x180000  }
0x8d: {  	[bflag:$0x0] =	sbarrier.arrive $0xFFFF  }
0x8e: {  	p0 =	sne.s32 s3, $0x0;
	_ =	strace $0x90000047  }
0x8f: {  	s0 =	sadd.s32 @!p0 $0x100000, s1;
	[bflag:$0x2] =	sbarrier.arrive $0xFFFF  }
0x90: {  	[sflag:s0] =	ssyncadd.tile.s32 @!p0 $0x1;
	_ =	shalt  }
.Lfunc_end2:
_tile_overlayer_lowered:
.L_overlay_start_2:
0x91: {  	(tag) =	ssettag $0x2  }
0x92: {  	s0 =	rddreg [dreg:$0x0];
	s2 =	stileid.u32  }
0x93: {  	s1 =	rddreg [dreg:$0x1];
	p0 =	sne.s32 s2, $0x0  }
0x94: {  	s3 =	rddreg [dreg:$0x2];
	[bflag:$0x3] =	sbarrier.arrive $0xFFFF;
	s2 =	simm.s32 @!p0 $0x1C01  }
0x95: {  	[timem:s3], [sflag:s2] =	dma.local @!p0 [hbm:s0], s1  }
0x96: {  	s0 =	simm.s32 @!p0 $0x1  }
0x97: {  	_ =	swait.ge @!p0 [sflag:s0], s1  }
0x98: {  	s1 =	ssub.s32 @!p0 $0x0, s1;
	[sflag:s0] =	ssyncset.done @!p0 $0x0  }
0x99: {  	[sflag:s0] =	ssyncadd.s32 @!p0 s1  }
0x9a: {  	[bflag:$0x3] =	sbarrier.arrive $0xFFFF  }
0x9b: {  	_ =	shalt  }

</sc_bundles>
